<compile_context>
chip_gen: v7x
topology: tpu7x:2x2x1
jax: 0.10.2.dev20260603
libtpu: 0.0.44.dev20260713+nightly
codegen_flags: <defaults>
</compile_context>

<pallas_src>
import functools

import jax
import jax.numpy as jnp
from jax import lax
from jax.experimental import pallas as pl
from jax.experimental.pallas import tpu as pltpu
from jax.experimental.pallas import tpu_sc as plsc

N = 10000
NP = 10240
NFEAT = 128
NHID = 16
HEADS = 8
E = 320000
EL = E + N
C = 96
NW = 32
CHB = 36
NBLK = 3
CH = CHB * NBLK
EP = NW * C * CH
ROWS_PT = NP // 16
W1CAT = 144
W2CAT = 32



def _proj_body(x_ref, wa_ref, wb_ref, oa_ref, ob_ref):
    x = x_ref[...]
    oa_ref[...] = jnp.dot(x, wa_ref[...], preferred_element_type=jnp.float32)
    ob_ref[...] = jnp.dot(x, wb_ref[...], preferred_element_type=jnp.float32)


def _dense_project(x_pad, wa, wb):
    bn = 1024
    k = x_pad.shape[1]
    return pl.pallas_call(
        _proj_body,
        grid=(NP // bn,),
        in_specs=[
            pl.BlockSpec((bn, k), lambda i: (i, 0)),
            pl.BlockSpec((k, wa.shape[1]), lambda i: (0, 0)),
            pl.BlockSpec((k, wb.shape[1]), lambda i: (0, 0)),
        ],
        out_specs=[
            pl.BlockSpec((bn, wa.shape[1]), lambda i: (i, 0)),
            pl.BlockSpec((bn, wb.shape[1]), lambda i: (i, 0)),
        ],
        out_shape=[
            jax.ShapeDtypeStruct((NP, wa.shape[1]), jnp.float32),
            jax.ShapeDtypeStruct((NP, wb.shape[1]), jnp.float32),
        ],
    )(x_pad, wa, wb)


def _combine1_body(pa_ref, pb_ref, b1_ref, r_ref, w2e_ref, w2d_ref, t2_ref, t2d_ref):
    acc = pa_ref[...] + pb_ref[...]
    out128 = acc[:, :128]
    den = acc[:, 128:136]
    recip = 1.0 / (den + 1e-16)
    rec128 = jnp.dot(recip, r_ref[...], preferred_element_type=jnp.float32)
    x2 = jnp.maximum(out128 * rec128 + b1_ref[...], 0.0)
    t2_ref[...] = jnp.dot(x2, w2e_ref[...], preferred_element_type=jnp.float32)
    t2d_ref[...] = jnp.dot(x2, w2d_ref[...], preferred_element_type=jnp.float32)


def _combine1(pa, pb, b1, r, w2e, w2d):
    bn = 1024
    return pl.pallas_call(
        _combine1_body,
        grid=(NP // bn,),
        in_specs=[
            pl.BlockSpec((bn, W1CAT), lambda i: (i, 0)),
            pl.BlockSpec((bn, W1CAT), lambda i: (i, 0)),
            pl.BlockSpec((1, 128), lambda i: (0, 0)),
            pl.BlockSpec((8, 128), lambda i: (0, 0)),
            pl.BlockSpec((128, W2CAT), lambda i: (0, 0)),
            pl.BlockSpec((128, 16), lambda i: (0, 0)),
        ],
        out_specs=[
            pl.BlockSpec((bn, W2CAT), lambda i: (i, 0)),
            pl.BlockSpec((bn, 16), lambda i: (i, 0)),
        ],
        out_shape=[
            jax.ShapeDtypeStruct((NP, W2CAT), jnp.float32),
            jax.ShapeDtypeStruct((NP, 16), jnp.float32),
        ],
    )(pa, pb, b1, r, w2e, w2d)


def _combine2_body(pa_ref, pb_ref, b2_ref, o_ref):
    acc = pa_ref[...] + pb_ref[...]
    num = acc[:, :16]
    recip = 1.0 / (acc[:, 16:17] + 1e-16)
    rec16 = jnp.dot(recip, jnp.ones((1, 16), jnp.float32),
                    preferred_element_type=jnp.float32)
    o_ref[...] = jnp.maximum(num * rec16 + b2_ref[...], 0.0)


def _combine2(pa, pb, b2):
    bn = 1024
    return pl.pallas_call(
        _combine2_body,
        grid=(NP // bn,),
        in_specs=[
            pl.BlockSpec((bn, W2CAT), lambda i: (i, 0)),
            pl.BlockSpec((bn, W2CAT), lambda i: (i, 0)),
            pl.BlockSpec((1, 16), lambda i: (0, 0)),
        ],
        out_specs=pl.BlockSpec((bn, 16), lambda i: (i, 0)),
        out_shape=jax.ShapeDtypeStruct((NP, 16), jnp.float32),
    )(pa, pb, b2)



def _sc_edge_kernel(width, nheads, stage=False):
    feat = nheads * 16
    att_off = width - 16
    ov = feat - att_off
    mesh = plsc.VectorSubcoreMesh(core_axis_name="c", subcore_axis_name="s",
                                  num_cores=2, num_subcores=16)

    def body(tsrc_hbm, tdst_hbm, src_hbm, dst_hbm, zro_hbm, out_hbm,
             idx_s, idx_d, rows_a, rows_b, arows_a, arows_b, acc, *rest):
        if stage:
            tsp, tdp, sem_a, sem_b = rest
            gsrc, gdst = tsp, tdp
        else:
            sem_a, sem_b = rest
            gsrc, gdst = tsrc_hbm, tdst_hbm
        cid = lax.axis_index("c")
        sid = lax.axis_index("s")
        wid = cid * 16 + sid
        r0 = sid * ROWS_PT
        pltpu.sync_copy(zro_hbm, acc.at[pl.ds(r0, ROWS_PT)])
        if stage:
            pltpu.sync_copy(tsrc_hbm.at[pl.ds(r0, ROWS_PT)], tsp.at[pl.ds(r0, ROWS_PT)])
            pltpu.sync_copy(tdst_hbm.at[pl.ds(r0, ROWS_PT)], tdp.at[pl.ds(r0, ROWS_PT)])
        plsc.subcore_barrier()

        lane = lax.iota(jnp.int32, 16)
        att_sl = pl.ds(att_off, 16)

        def make_edge(rows, arows):
            def edge(e, _):
                va = rows[e, att_sl]
                vb = arows[e, pl.ds(0, 16)]
                t = va + vb
                al = jnp.where(t >= 0.0, t, t * 0.2)
                w = jnp.exp(al)
                for h in range(nheads):
                    sl = pl.ds(h * 16, 16)
                    rows[e, sl] = rows[e, sl] * w[ov + h]
                wm = jnp.where(lane < ov + nheads, w, 0.0)
                if ov > 0:
                    cur = rows[e, att_sl]
                    wm = jnp.where(lane < ov, cur, wm)
                rows[e, att_sl] = wm
                return 0
            return edge

        def issue(c, rbuf, abuf, sem):
            pltpu.async_copy(gsrc.at[idx_s.at[c]], rbuf, sem)
            pltpu.async_copy(gdst.at[idx_d.at[c]], abuf, sem)

        def process(c, rbuf, abuf, sem):
            pltpu.make_async_copy(gsrc.at[idx_s.at[0]], rbuf, sem).wait()
            pltpu.make_async_copy(gdst.at[idx_d.at[0]], abuf, sem).wait()
            lax.fori_loop(0, C, make_edge(rbuf, abuf), 0)
            pltpu.sync_copy(rbuf, acc.at[idx_d.at[c]], add=True)

        def pair(j, _):
            c = 2 * j
            issue(c + 1, rows_b, arows_b, sem_b)
            process(c, rows_a, arows_a, sem_a)

            @pl.when(j < CHB // 2 - 1)
            def _():
                issue(c + 2, rows_a, arows_a, sem_a)

            process(c + 1, rows_b, arows_b, sem_b)
            return 0

        def blk(b, _):
            pltpu.sync_copy(src_hbm.at[wid, pl.ds(b * CHB, CHB)], idx_s)
            pltpu.sync_copy(dst_hbm.at[wid, pl.ds(b * CHB, CHB)], idx_d)
            issue(0, rows_a, arows_a, sem_a)
            lax.fori_loop(0, CHB // 2, pair, 0)
            return 0

        lax.fori_loop(0, NBLK, blk, 0)
        plsc.subcore_barrier()
        pltpu.sync_copy(acc.at[pl.ds(r0, ROWS_PT)],
                        out_hbm.at[cid, pl.ds(r0, ROWS_PT)])

    return pl.kernel(
        body,
        out_type=jax.ShapeDtypeStruct((2, NP, width), jnp.float32),
        mesh=mesh,
        compiler_params=pltpu.CompilerParams(use_tc_tiling_on_sc=False),
        scratch_types=[
            pltpu.VMEM((CHB, C), jnp.int32),
            pltpu.VMEM((CHB, C), jnp.int32),
            pltpu.VMEM((C, width), jnp.float32),
            pltpu.VMEM((C, width), jnp.float32),
            pltpu.VMEM((C, 16), jnp.float32),
            pltpu.VMEM((C, 16), jnp.float32),
            pltpu.VMEM_SHARED((NP, width), jnp.float32),
        ] + ([pltpu.VMEM_SHARED((NP, width), jnp.float32),
              pltpu.VMEM_SHARED((NP, 16), jnp.float32)] if stage else []) + [
            pltpu.SemaphoreType.DMA,
            pltpu.SemaphoreType.DMA,
        ],
    )



def kernel(x, edge_index, W1, att_src1, att_dst1, b1, W2, att_src2, att_dst2, b2):
    f32 = jnp.float32
    x = x.astype(f32)
    ei = edge_index.astype(jnp.int32)
    loop = jnp.arange(N, dtype=jnp.int32)
    pad = jnp.full((EP - EL,), N, jnp.int32)
    srcp = jnp.concatenate([ei[0], loop, pad]).reshape(NW, CH, C)
    dstp = jnp.concatenate([ei[1], loop, pad]).reshape(NW, CH, C)
    x_pad = jnp.pad(x, ((0, NP - N), (0, 0)))

    a1s = att_src1.reshape(HEADS, NHID).astype(f32)
    a1d = att_dst1.reshape(HEADS, NHID).astype(f32)
    eye8 = jnp.eye(HEADS, dtype=f32)
    asrc = (eye8[:, None, :] * a1s[:, :, None]).reshape(HEADS * NHID, HEADS)
    adst = (eye8[:, None, :] * a1d[:, :, None]).reshape(HEADS * NHID, HEADS)
    w1 = W1.astype(f32)
    w1e = jnp.concatenate([w1, w1 @ asrc, jnp.zeros((NFEAT, 8), f32)], axis=1)
    w1d = jnp.concatenate([w1 @ adst, jnp.zeros((NFEAT, 8), f32)], axis=1)

    t1, ta = _dense_project(x_pad, w1e, w1d)
    z1 = jnp.zeros((ROWS_PT, W1CAT), f32)
    part1 = _sc_edge_kernel(W1CAT, HEADS)(t1, ta, srcp, dstp, z1)

    a2s = att_src2.reshape(NHID, 1).astype(f32)
    a2d = att_dst2.reshape(NHID, 1).astype(f32)
    w2 = W2.astype(f32)
    w2e = jnp.concatenate([w2, w2 @ a2s, jnp.zeros((HEADS * NHID, 15), f32)], axis=1)
    w2d = jnp.concatenate([w2 @ a2d, jnp.zeros((HEADS * NHID, 15), f32)], axis=1)
    rexp = jnp.repeat(eye8, NHID, axis=1)

    t2, t2d = _combine1(part1[0], part1[1], b1.reshape(1, 128).astype(f32),
                        rexp, w2e, w2d)
    z2 = jnp.zeros((ROWS_PT, W2CAT), f32)
    part2 = _sc_edge_kernel(W2CAT, 1, stage=True)(t2, t2d, srcp, dstp, z2)

    out = _combine2(part2[0], part2[1], b2.reshape(1, 16).astype(f32))
    return out[:N]

# --- scband reference (transcript-rebuilt; emitter-appended) ---
"""Pipeline reference for scband-gat-body-87265145520541 (READ-ONLY COPY).

The authoritative reference and input builder live on the scoring server;
editing this copy changes nothing except your own understanding.
"""

import jax, jax.numpy as jnp
import numpy as np

N = 10000
E = 320000
NFEAT = 128
NHID = 16
HEADS = 8
NEG_SLOPE = 0.2


def setup_inputs(seed: int = 0) -> dict:
    key = jax.random.key(seed)
    ks = jax.random.split(key, 12)
    x = jax.random.normal(ks[0], (N, NFEAT), dtype=jnp.float32)
    edge_index = jax.random.randint(ks[1], (2, E), 0, N)
    # conv1: GATConv(nfeat, nhid, heads=8, concat=True)
    W1 = jax.random.normal(ks[2], (NFEAT, HEADS * NHID), dtype=jnp.float32) * (1.0 / np.sqrt(NFEAT))
    att_src1 = jax.random.normal(ks[3], (1, HEADS, NHID), dtype=jnp.float32) * 0.1
    att_dst1 = jax.random.normal(ks[4], (1, HEADS, NHID), dtype=jnp.float32) * 0.1
    b1 = jnp.zeros((HEADS * NHID,), dtype=jnp.float32)
    # conv2: GATConv(heads*nhid, nhid, heads=1, concat=False)
    W2 = jax.random.normal(ks[5], (HEADS * NHID, NHID), dtype=jnp.float32) * (1.0 / np.sqrt(HEADS * NHID))
    att_src2 = jax.random.normal(ks[6], (1, 1, NHID), dtype=jnp.float32) * 0.1
    att_dst2 = jax.random.normal(ks[7], (1, 1, NHID), dtype=jnp.float32) * 0.1
    b2 = jnp.zeros((NHID,), dtype=jnp.float32)
    return {"x": x, "edge_index": edge_index, "W1": W1, "att_src1": att_src1,
            "att_dst1": att_dst1, "b1": b1, "W2": W2, "att_src2": att_src2,
            "att_dst2": att_dst2, "b2": b2}


def _gat_conv(x, edge_index, W, att_src, att_dst, bias, heads, out_ch, concat):
    n = x.shape[0]
    src = edge_index[0]
    dst = edge_index[1]
    # PyG GATConv default: add_self_loops=True
    loop = jnp.arange(n, dtype=src.dtype)
    src = jnp.concatenate([src, loop])
    dst = jnp.concatenate([dst, loop])
    h = (x @ W).reshape(n, heads, out_ch)  # [N, H, F]
    a_src = jnp.sum(h * att_src, axis=-1)  # [N, H]
    a_dst = jnp.sum(h * att_dst, axis=-1)  # [N, H]
    alpha = a_src[src] + a_dst[dst]  # [E', H] gather
    alpha = jax.nn.leaky_relu(alpha, NEG_SLOPE)
    # segment softmax over incoming edges of each dst node
    m = jax.ops.segment_max(alpha, dst, num_segments=n)
    m = jnp.where(jnp.isfinite(m), m, 0.0)
    m = jax.lax.stop_gradient(m)
    e = jnp.exp(alpha - m[dst])
    denom = jax.ops.segment_sum(e, dst, num_segments=n)
    a = e / (denom[dst] + 1e-16)  # [E', H]
    msg = h[src] * a[:, :, None]  # gather + weight
    out = jax.ops.segment_sum(msg, dst, num_segments=n)  # scatter-add [N, H, F]
    if concat:
        out = out.reshape(n, heads * out_ch)
    else:
        out = out.mean(axis=1)
    return out + bias


def reference(x, edge_index, W1, att_src1, att_dst1, b1, W2, att_src2, att_dst2, b2):
    # GAT_body.forward (eval mode: dropout = identity, use_ln=False, layer_norm_first=False)
    h = _gat_conv(x, edge_index, W1, att_src1, att_dst1, b1, HEADS, NHID, True)
    h = jax.nn.relu(h)
    h = _gat_conv(h, edge_index, W2, att_src2, att_dst2, b2, 1, NHID, False)
    h = jax.nn.relu(h)
    return h

if __name__ == "__main__":
    import jax
    _d = setup_inputs()
    print(jax.jit(kernel)(*tuple(_d.values())))

</pallas_src>

<mosaic_0001>
#map = affine_map<(d0, d1) -> (0, 0)>
#map1 = affine_map<(d0, d1) -> (0, 0, 0)>
module attributes {stable_mosaic.version = 14 : i64} {
  func.func @body(%arg0: i32, %arg1: i32, %arg2: memref<10240x32xf32, #tpu.memory_space<hbm>>, %arg3: memref<10240x16xf32, #tpu.memory_space<hbm>>, %arg4: memref<32x108x96xi32, #tpu.memory_space<hbm>>, %arg5: memref<32x108x96xi32, #tpu.memory_space<hbm>>, %arg6: memref<640x32xf32, #tpu.memory_space<hbm>>, %arg7: memref<2x10240x32xf32, #tpu.memory_space<hbm>>, %arg8: memref<36x96xi32, #tpu.memory_space<vmem>>, %arg9: memref<36x96xi32, #tpu.memory_space<vmem>>, %arg10: memref<96x32xf32, #tpu.memory_space<vmem>>, %arg11: memref<96x32xf32, #tpu.memory_space<vmem>>, %arg12: memref<96x16xf32, #tpu.memory_space<vmem>>, %arg13: memref<96x16xf32, #tpu.memory_space<vmem>>, %arg14: memref<10240x32xf32, #tpu.memory_space<vmem_shared>>, %arg15: memref<10240x32xf32, #tpu.memory_space<vmem_shared>>, %arg16: memref<10240x16xf32, #tpu.memory_space<vmem_shared>>, %arg17: memref<!tpu.dma_semaphore, #tpu.memory_space<semaphore_mem>>, %arg18: memref<!tpu.dma_semaphore, #tpu.memory_space<semaphore_mem>>) attributes {dimension_semantics = [#tpu.dimension_semantics<core_parallel>, #tpu.dimension_semantics<subcore_parallel>], iteration_bounds = array<i64: 2, 16>, scalar_prefetch = 0 : i64, scratch_operands = 11 : i64, tpu.core_type = #tpu.core_type<sc_vector_subcore>, window_params = [{transform_indices = #map}, {transform_indices = #map}, {transform_indices = #map1}, {transform_indices = #map1}, {transform_indices = #map}, {transform_indices = #map1}]} {
    %mul3A = arith.constant 16 : i32
    %mul3A_0 = arith.muli %arg0, %mul3A : i32
    %add3A = arith.addi %mul3A_0, %arg1 : i32
    %mul3A_1 = arith.constant 640 : i32
    %mul3A_2 = arith.muli %arg1, %mul3A_1 : i32
    "tpu.region"() ({
      %run_scoped3A = tpu.sem_alloc : memref<!tpu.dma_semaphore, #tpu.memory_space<semaphore_mem>>
      %dma_start3A = arith.constant 0 : i32
      %dma_start3A_10 = tpu.memref_slice %arg14[%mul3A_2, %dma_start3A] : memref<10240x32xf32, #tpu.memory_space<vmem_shared>> -> memref<640x32xf32, #tpu.memory_space<vmem_shared>>
      tpu.enqueue_dma source(%arg6 : memref<640x32xf32, #tpu.memory_space<hbm>>) target(%dma_start3A_10 : memref<640x32xf32, #tpu.memory_space<vmem_shared>>) target_semaphore(%run_scoped3A : memref<!tpu.dma_semaphore, #tpu.memory_space<semaphore_mem>>)
      %dma_wait3A = arith.constant 0 : i32
      %dma_wait3A_11 = tpu.memref_slice %arg14[%mul3A_2, %dma_wait3A] : memref<10240x32xf32, #tpu.memory_space<vmem_shared>> -> memref<640x32xf32, #tpu.memory_space<vmem_shared>>
      tpu.wait_dma2 semaphore(%run_scoped3A : memref<!tpu.dma_semaphore, #tpu.memory_space<semaphore_mem>>) src(%arg6 : memref<640x32xf32, #tpu.memory_space<hbm>>) dst(%dma_wait3A_11 : memref<640x32xf32, #tpu.memory_space<vmem_shared>>)
      tpu.yield
    }) : () -> ()
    "tpu.region"() ({
      %run_scoped3A = tpu.sem_alloc : memref<!tpu.dma_semaphore, #tpu.memory_space<semaphore_mem>>
      %dma_start3A = arith.constant 0 : i32
      %dma_start3A_10 = tpu.memref_slice %arg15[%mul3A_2, %dma_start3A] : memref<10240x32xf32, #tpu.memory_space<vmem_shared>> -> memref<640x32xf32, #tpu.memory_space<vmem_shared>>
      %dma_start3A_11 = arith.constant 0 : i32
      %dma_start3A_12 = tpu.memref_slice %arg2[%mul3A_2, %dma_start3A_11] : memref<10240x32xf32, #tpu.memory_space<hbm>> -> memref<640x32xf32, #tpu.memory_space<hbm>>
      tpu.enqueue_dma source(%dma_start3A_12 : memref<640x32xf32, #tpu.memory_space<hbm>>) target(%dma_start3A_10 : memref<640x32xf32, #tpu.memory_space<vmem_shared>>) target_semaphore(%run_scoped3A : memref<!tpu.dma_semaphore, #tpu.memory_space<semaphore_mem>>)
      %dma_wait3A = arith.constant 0 : i32
      %dma_wait3A_13 = tpu.memref_slice %arg15[%mul3A_2, %dma_wait3A] : memref<10240x32xf32, #tpu.memory_space<vmem_shared>> -> memref<640x32xf32, #tpu.memory_space<vmem_shared>>
      %dma_wait3A_14 = arith.constant 0 : i32
      %dma_wait3A_15 = tpu.memref_slice %arg2[%mul3A_2, %dma_wait3A_14] : memref<10240x32xf32, #tpu.memory_space<hbm>> -> memref<640x32xf32, #tpu.memory_space<hbm>>
      tpu.wait_dma2 semaphore(%run_scoped3A : memref<!tpu.dma_semaphore, #tpu.memory_space<semaphore_mem>>) src(%dma_wait3A_15 : memref<640x32xf32, #tpu.memory_space<hbm>>) dst(%dma_wait3A_13 : memref<640x32xf32, #tpu.memory_space<vmem_shared>>)
      tpu.yield
    }) : () -> ()
    "tpu.region"() ({
      %run_scoped3A = tpu.sem_alloc : memref<!tpu.dma_semaphore, #tpu.memory_space<semaphore_mem>>
      %dma_start3A = arith.constant 0 : i32
      %dma_start3A_10 = tpu.memref_slice %arg16[%mul3A_2, %dma_start3A] : memref<10240x16xf32, #tpu.memory_space<vmem_shared>> -> memref<640x16xf32, #tpu.memory_space<vmem_shared>>
      %dma_start3A_11 = arith.constant 0 : i32
      %dma_start3A_12 = tpu.memref_slice %arg3[%mul3A_2, %dma_start3A_11] : memref<10240x16xf32, #tpu.memory_space<hbm>> -> memref<640x16xf32, #tpu.memory_space<hbm>>
      tpu.enqueue_dma source(%dma_start3A_12 : memref<640x16xf32, #tpu.memory_space<hbm>>) target(%dma_start3A_10 : memref<640x16xf32, #tpu.memory_space<vmem_shared>>) target_semaphore(%run_scoped3A : memref<!tpu.dma_semaphore, #tpu.memory_space<semaphore_mem>>)
      %dma_wait3A = arith.constant 0 : i32
      %dma_wait3A_13 = tpu.memref_slice %arg16[%mul3A_2, %dma_wait3A] : memref<10240x16xf32, #tpu.memory_space<vmem_shared>> -> memref<640x16xf32, #tpu.memory_space<vmem_shared>>
      %dma_wait3A_14 = arith.constant 0 : i32
      %dma_wait3A_15 = tpu.memref_slice %arg3[%mul3A_2, %dma_wait3A_14] : memref<10240x16xf32, #tpu.memory_space<hbm>> -> memref<640x16xf32, #tpu.memory_space<hbm>>
      tpu.wait_dma2 semaphore(%run_scoped3A : memref<!tpu.dma_semaphore, #tpu.memory_space<semaphore_mem>>) src(%dma_wait3A_15 : memref<640x16xf32, #tpu.memory_space<hbm>>) dst(%dma_wait3A_13 : memref<640x16xf32, #tpu.memory_space<vmem_shared>>)
      tpu.yield
    }) : () -> ()
    %barrier3A = arith.constant 0 : index
    tpu.barrier barrier_id(%barrier3A)
    %iota3A = tpu.iota {dimensions = array<i32: 0>} : vector<16xi32>
    %scan3A = arith.constant 0 : i32
    %scan3A_3 = arith.constant 0 : i32
    %scan3A_4 = arith.constant 3 : i32
    %scan3A_5 = arith.addi %scan3A_3, %scan3A_4 : i32
    %scan3A_6 = arith.constant 1 : i32
    %scan3A_7 = scf.for %scan3A_10 = %scan3A_3 to %scan3A_5 step %scan3A_6 iter_args(%scan3A_11 = %scan3A) -> (i32)  : i32 {
      %mul3A_12 = arith.constant 36 : i32
      %mul3A_13 = arith.muli %scan3A_10, %mul3A_12 : i32
      "tpu.region"() ({
        %run_scoped3A = tpu.sem_alloc : memref<!tpu.dma_semaphore, #tpu.memory_space<semaphore_mem>>
        %dma_start3A_37 = arith.constant 0 : i32
        %dma_start3A_38 = tpu.memref_slice %arg4[%add3A, %mul3A_13, %dma_start3A_37] : memref<32x108x96xi32, #tpu.memory_space<hbm>> -> memref<1x36x96xi32, #tpu.memory_space<hbm>>
        %dma_start3A_39 = tpu.memref_squeeze %dma_start3A_38 : memref<1x36x96xi32, #tpu.memory_space<hbm>> -> memref<36x96xi32, #tpu.memory_space<hbm>>
        %dma_start3A_40 = arith.constant 0 : i32
        %dma_start3A_41 = tpu.memref_slice %arg4[%add3A, %mul3A_13, %dma_start3A_40] : memref<32x108x96xi32, #tpu.memory_space<hbm>> -> memref<1x36x96xi32, #tpu.memory_space<hbm>>
        %dma_start3A_42 = tpu.memref_squeeze %dma_start3A_41 : memref<1x36x96xi32, #tpu.memory_space<hbm>> -> memref<36x96xi32, #tpu.memory_space<hbm>>
        tpu.enqueue_dma source(%dma_start3A_42 : memref<36x96xi32, #tpu.memory_space<hbm>>) target(%arg8 : memref<36x96xi32, #tpu.memory_space<vmem>>) target_semaphore(%run_scoped3A : memref<!tpu.dma_semaphore, #tpu.memory_space<semaphore_mem>>)
        %dma_wait3A = arith.constant 0 : i32
        %dma_wait3A_43 = tpu.memref_slice %arg4[%add3A, %mul3A_13, %dma_wait3A] : memref<32x108x96xi32, #tpu.memory_space<hbm>> -> memref<1x36x96xi32, #tpu.memory_space<hbm>>
        %dma_wait3A_44 = tpu.memref_squeeze %dma_wait3A_43 : memref<1x36x96xi32, #tpu.memory_space<hbm>> -> memref<36x96xi32, #tpu.memory_space<hbm>>
        %dma_wait3A_45 = arith.constant 0 : i32
        %dma_wait3A_46 = tpu.memref_slice %arg4[%add3A, %mul3A_13, %dma_wait3A_45] : memref<32x108x96xi32, #tpu.memory_space<hbm>> -> memref<1x36x96xi32, #tpu.memory_space<hbm>>
        %dma_wait3A_47 = tpu.memref_squeeze %dma_wait3A_46 : memref<1x36x96xi32, #tpu.memory_space<hbm>> -> memref<36x96xi32, #tpu.memory_space<hbm>>
        tpu.wait_dma2 semaphore(%run_scoped3A : memref<!tpu.dma_semaphore, #tpu.memory_space<semaphore_mem>>) src(%dma_wait3A_47 : memref<36x96xi32, #tpu.memory_space<hbm>>) dst(%arg8 : memref<36x96xi32, #tpu.memory_space<vmem>>)
        tpu.yield
      }) : () -> ()
      %mul3A_14 = arith.constant 36 : i32
      %mul3A_15 = arith.muli %scan3A_10, %mul3A_14 : i32
      "tpu.region"() ({
        %run_scoped3A = tpu.sem_alloc : memref<!tpu.dma_semaphore, #tpu.memory_space<semaphore_mem>>
        %dma_start3A_37 = arith.constant 0 : i32
        %dma_start3A_38 = tpu.memref_slice %arg5[%add3A, %mul3A_15, %dma_start3A_37] : memref<32x108x96xi32, #tpu.memory_space<hbm>> -> memref<1x36x96xi32, #tpu.memory_space<hbm>>
        %dma_start3A_39 = tpu.memref_squeeze %dma_start3A_38 : memref<1x36x96xi32, #tpu.memory_space<hbm>> -> memref<36x96xi32, #tpu.memory_space<hbm>>
        %dma_start3A_40 = arith.constant 0 : i32
        %dma_start3A_41 = tpu.memref_slice %arg5[%add3A, %mul3A_15, %dma_start3A_40] : memref<32x108x96xi32, #tpu.memory_space<hbm>> -> memref<1x36x96xi32, #tpu.memory_space<hbm>>
        %dma_start3A_42 = tpu.memref_squeeze %dma_start3A_41 : memref<1x36x96xi32, #tpu.memory_space<hbm>> -> memref<36x96xi32, #tpu.memory_space<hbm>>
        tpu.enqueue_dma source(%dma_start3A_42 : memref<36x96xi32, #tpu.memory_space<hbm>>) target(%arg9 : memref<36x96xi32, #tpu.memory_space<vmem>>) target_semaphore(%run_scoped3A : memref<!tpu.dma_semaphore, #tpu.memory_space<semaphore_mem>>)
        %dma_wait3A = arith.constant 0 : i32
        %dma_wait3A_43 = tpu.memref_slice %arg5[%add3A, %mul3A_15, %dma_wait3A] : memref<32x108x96xi32, #tpu.memory_space<hbm>> -> memref<1x36x96xi32, #tpu.memory_space<hbm>>
        %dma_wait3A_44 = tpu.memref_squeeze %dma_wait3A_43 : memref<1x36x96xi32, #tpu.memory_space<hbm>> -> memref<36x96xi32, #tpu.memory_space<hbm>>
        %dma_wait3A_45 = arith.constant 0 : i32
        %dma_wait3A_46 = tpu.memref_slice %arg5[%add3A, %mul3A_15, %dma_wait3A_45] : memref<32x108x96xi32, #tpu.memory_space<hbm>> -> memref<1x36x96xi32, #tpu.memory_space<hbm>>
        %dma_wait3A_47 = tpu.memref_squeeze %dma_wait3A_46 : memref<1x36x96xi32, #tpu.memory_space<hbm>> -> memref<36x96xi32, #tpu.memory_space<hbm>>
        tpu.wait_dma2 semaphore(%run_scoped3A : memref<!tpu.dma_semaphore, #tpu.memory_space<semaphore_mem>>) src(%dma_wait3A_47 : memref<36x96xi32, #tpu.memory_space<hbm>>) dst(%arg9 : memref<36x96xi32, #tpu.memory_space<vmem>>)
        tpu.yield
      }) : () -> ()
      %dma_start3A = arith.constant 0 : i32
      %dma_start3A_16 = arith.constant 0 : i32
      %dma_start3A_17 = tpu.memref_slice %arg8[%dma_start3A, %dma_start3A_16] : memref<36x96xi32, #tpu.memory_space<vmem>> -> memref<1x96xi32, #tpu.memory_space<vmem>>
      %dma_start3A_18 = tpu.memref_squeeze %dma_start3A_17 : memref<1x96xi32, #tpu.memory_space<vmem>> -> memref<96xi32, #tpu.memory_space<vmem>>
      %dma_start3A_19 = arith.constant 0 : i32
      %dma_start3A_20 = arith.constant 0 : i32
      %dma_start3A_21 = tpu.memref_slice %arg15[%dma_start3A_19, %dma_start3A_20] : memref<10240x32xf32, #tpu.memory_space<vmem_shared>> -> memref<10240x32xf32, #tpu.memory_space<vmem_shared>>
      tpu.enqueue_indirect_dma source(%dma_start3A_21 : memref<10240x32xf32, #tpu.memory_space<vmem_shared>>) target(%arg10 : memref<96x32xf32, #tpu.memory_space<vmem>>) offsets(%dma_start3A_18 : memref<96xi32, #tpu.memory_space<vmem>>) semaphore(%arg17 : memref<!tpu.dma_semaphore, #tpu.memory_space<semaphore_mem>>)
      %dma_start3A_22 = arith.constant 0 : i32
      %dma_start3A_23 = arith.constant 0 : i32
      %dma_start3A_24 = tpu.memref_slice %arg9[%dma_start3A_22, %dma_start3A_23] : memref<36x96xi32, #tpu.memory_space<vmem>> -> memref<1x96xi32, #tpu.memory_space<vmem>>
      %dma_start3A_25 = tpu.memref_squeeze %dma_start3A_24 : memref<1x96xi32, #tpu.memory_space<vmem>> -> memref<96xi32, #tpu.memory_space<vmem>>
      %dma_start3A_26 = arith.constant 0 : i32
      %dma_start3A_27 = arith.constant 0 : i32
      %dma_start3A_28 = tpu.memref_slice %arg16[%dma_start3A_26, %dma_start3A_27] : memref<10240x16xf32, #tpu.memory_space<vmem_shared>> -> memref<10240x16xf32, #tpu.memory_space<vmem_shared>>
      tpu.enqueue_indirect_dma source(%dma_start3A_28 : memref<10240x16xf32, #tpu.memory_space<vmem_shared>>) target(%arg12 : memref<96x16xf32, #tpu.memory_space<vmem>>) offsets(%dma_start3A_25 : memref<96xi32, #tpu.memory_space<vmem>>) semaphore(%arg17 : memref<!tpu.dma_semaphore, #tpu.memory_space<semaphore_mem>>)
      %scan3A_29 = arith.constant 0 : i32
      %scan3A_30 = arith.constant 0 : i32
      %scan3A_31 = arith.constant 18 : i32
      %scan3A_32 = arith.addi %scan3A_30, %scan3A_31 : i32
      %scan3A_33 = arith.constant 1 : i32
      %scan3A_34 = scf.for %scan3A_37 = %scan3A_30 to %scan3A_32 step %scan3A_33 iter_args(%scan3A_38 = %scan3A_29) -> (i32)  : i32 {
        %mul3A_39 = arith.constant 2 : i32
        %mul3A_40 = arith.muli %mul3A_39, %scan3A_37 : i32
        %add3A_41 = arith.constant 1 : i32
        %add3A_42 = arith.addi %mul3A_40, %add3A_41 : i32
        %dma_start3A_43 = arith.constant 0 : i32
        %dma_start3A_44 = tpu.memref_slice %arg8[%add3A_42, %dma_start3A_43] : memref<36x96xi32, #tpu.memory_space<vmem>> -> memref<1x96xi32, #tpu.memory_space<vmem>>
        %dma_start3A_45 = tpu.memref_squeeze %dma_start3A_44 : memref<1x96xi32, #tpu.memory_space<vmem>> -> memref<96xi32, #tpu.memory_space<vmem>>
        %dma_start3A_46 = arith.constant 0 : i32
        %dma_start3A_47 = arith.constant 0 : i32
        %dma_start3A_48 = tpu.memref_slice %arg15[%dma_start3A_46, %dma_start3A_47] : memref<10240x32xf32, #tpu.memory_space<vmem_shared>> -> memref<10240x32xf32, #tpu.memory_space<vmem_shared>>
        tpu.enqueue_indirect_dma source(%dma_start3A_48 : memref<10240x32xf32, #tpu.memory_space<vmem_shared>>) target(%arg11 : memref<96x32xf32, #tpu.memory_space<vmem>>) offsets(%dma_start3A_45 : memref<96xi32, #tpu.memory_space<vmem>>) semaphore(%arg18 : memref<!tpu.dma_semaphore, #tpu.memory_space<semaphore_mem>>)
        %dma_start3A_49 = arith.constant 0 : i32
        %dma_start3A_50 = tpu.memref_slice %arg9[%add3A_42, %dma_start3A_49] : memref<36x96xi32, #tpu.memory_space<vmem>> -> memref<1x96xi32, #tpu.memory_space<vmem>>
        %dma_start3A_51 = tpu.memref_squeeze %dma_start3A_50 : memref<1x96xi32, #tpu.memory_space<vmem>> -> memref<96xi32, #tpu.memory_space<vmem>>
        %dma_start3A_52 = arith.constant 0 : i32
        %dma_start3A_53 = arith.constant 0 : i32
        %dma_start3A_54 = tpu.memref_slice %arg16[%dma_start3A_52, %dma_start3A_53] : memref<10240x16xf32, #tpu.memory_space<vmem_shared>> -> memref<10240x16xf32, #tpu.memory_space<vmem_shared>>
        tpu.enqueue_indirect_dma source(%dma_start3A_54 : memref<10240x16xf32, #tpu.memory_space<vmem_shared>>) target(%arg13 : memref<96x16xf32, #tpu.memory_space<vmem>>) offsets(%dma_start3A_51 : memref<96xi32, #tpu.memory_space<vmem>>) semaphore(%arg18 : memref<!tpu.dma_semaphore, #tpu.memory_space<semaphore_mem>>)
        %dma_wait3A = arith.constant 0 : i32
        %dma_wait3A_55 = arith.constant 0 : i32
        %dma_wait3A_56 = tpu.memref_slice %arg8[%dma_wait3A, %dma_wait3A_55] : memref<36x96xi32, #tpu.memory_space<vmem>> -> memref<1x96xi32, #tpu.memory_space<vmem>>
        %dma_wait3A_57 = tpu.memref_squeeze %dma_wait3A_56 : memref<1x96xi32, #tpu.memory_space<vmem>> -> memref<96xi32, #tpu.memory_space<vmem>>
        %dma_wait3A_58 = arith.constant 0 : i32
        %dma_wait3A_59 = arith.constant 0 : i32
        %dma_wait3A_60 = tpu.memref_slice %arg15[%dma_wait3A_58, %dma_wait3A_59] : memref<10240x32xf32, #tpu.memory_space<vmem_shared>> -> memref<10240x32xf32, #tpu.memory_space<vmem_shared>>
        tpu.wait_indirect_dma semaphore(%arg17 : memref<!tpu.dma_semaphore, #tpu.memory_space<semaphore_mem>>) src(%dma_wait3A_60 : memref<10240x32xf32, #tpu.memory_space<vmem_shared>>) dst(%arg10 : memref<96x32xf32, #tpu.memory_space<vmem>>)
        %dma_wait3A_61 = arith.constant 0 : i32
        %dma_wait3A_62 = arith.constant 0 : i32
        %dma_wait3A_63 = tpu.memref_slice %arg9[%dma_wait3A_61, %dma_wait3A_62] : memref<36x96xi32, #tpu.memory_space<vmem>> -> memref<1x96xi32, #tpu.memory_space<vmem>>
        %dma_wait3A_64 = tpu.memref_squeeze %dma_wait3A_63 : memref<1x96xi32, #tpu.memory_space<vmem>> -> memref<96xi32, #tpu.memory_space<vmem>>
        %dma_wait3A_65 = arith.constant 0 : i32
        %dma_wait3A_66 = arith.constant 0 : i32
        %dma_wait3A_67 = tpu.memref_slice %arg16[%dma_wait3A_65, %dma_wait3A_66] : memref<10240x16xf32, #tpu.memory_space<vmem_shared>> -> memref<10240x16xf32, #tpu.memory_space<vmem_shared>>
        tpu.wait_indirect_dma semaphore(%arg17 : memref<!tpu.dma_semaphore, #tpu.memory_space<semaphore_mem>>) src(%dma_wait3A_67 : memref<10240x16xf32, #tpu.memory_space<vmem_shared>>) dst(%arg12 : memref<96x16xf32, #tpu.memory_space<vmem>>)
        %scan3A_68 = arith.constant 0 : i32
        %scan3A_69 = arith.constant 0 : i32
        %scan3A_70 = arith.constant 96 : i32
        %scan3A_71 = arith.addi %scan3A_69, %scan3A_70 : i32
        %scan3A_72 = arith.constant 1 : i32
        %scan3A_73 = scf.for %scan3A_101 = %scan3A_69 to %scan3A_71 step %scan3A_72 iter_args(%scan3A_102 = %scan3A_68) -> (i32)  : i32 {
          %get3A = arith.index_cast %scan3A_101 : i32 to index
          %get3A_103 = arith.constant 16 : index
          %get3A_104 = tpu.vector_load %arg10[%get3A, %get3A_103] {strides = array<i32>} : memref<96x32xf32, #tpu.memory_space<vmem>>, vector<1x16xf32>,
          %get3A_105 = vector.shape_cast %get3A_104 : vector<1x16xf32> to vector<16xf32>
          %get3A_106 = arith.index_cast %scan3A_101 : i32 to index
          %get3A_107 = arith.constant 0 : index
          %get3A_108 = tpu.vector_load %arg12[%get3A_106, %get3A_107] {strides = array<i32>} : memref<96x16xf32, #tpu.memory_space<vmem>>, vector<1x16xf32>,
          %get3A_109 = vector.shape_cast %get3A_108 : vector<1x16xf32> to vector<16xf32>
          %add3A_110 = arith.addf %get3A_105, %get3A_109 : vector<16xf32>
          %ge3A = arith.constant 0.000000e+00 : f32
          %ge3A_111 = vector.broadcast %ge3A : f32 to vector<16xf32>
          %ge3A_112 = arith.cmpf oge, %add3A_110, %ge3A_111 : vector<16xf32>
          %mul3A_113 = arith.constant 2.000000e-01 : f32
          %mul3A_114 = vector.broadcast %mul3A_113 : f32 to vector<16xf32>
          %mul3A_115 = arith.mulf %add3A_110, %mul3A_114 : vector<16xf32>
          %select_n3A = arith.select %ge3A_112, %add3A_110, %mul3A_115 : vector<16xi1>, vector<16xf32>
          %exp3A = math.exp %select_n3A : vector<16xf32>
          %get3A_116 = arith.index_cast %scan3A_101 : i32 to index
          %get3A_117 = arith.constant 0 : index
          %get3A_118 = tpu.vector_load %arg10[%get3A_116, %get3A_117] {strides = array<i32>} : memref<96x32xf32, #tpu.memory_space<vmem>>, vector<1x16xf32>,
          %get3A_119 = vector.shape_cast %get3A_118 : vector<1x16xf32> to vector<16xf32>
          %slice3A = vector.extract_strided_slice %exp3A {offsets = [0], sizes = [1], strides = [1]} : vector<16xf32> to vector<1xf32>
          %squeeze3A = vector.extract %slice3A[0] : f32 from vector<1xf32>
          %mul3A_120 = vector.broadcast %squeeze3A : f32 to vector<16xf32>
          %mul3A_121 = arith.mulf %get3A_119, %mul3A_120 : vector<16xf32>
          %swap3A = arith.index_cast %scan3A_101 : i32 to index
          %swap3A_122 = arith.constant 0 : index
          %swap3A_123 = tpu.vector_load %arg10[%swap3A, %swap3A_122] {strides = array<i32>} : memref<96x32xf32, #tpu.memory_space<vmem>>, vector<1x16xf32>,
          %swap3A_124 = vector.shape_cast %swap3A_123 : vector<1x16xf32> to vector<16xf32>
          %swap3A_125 = vector.shape_cast %mul3A_121 : vector<16xf32> to vector<1x16xf32>
          tpu.vector_store %arg10[%swap3A, %swap3A_122], %swap3A_125 {strides = array<i32>} : memref<96x32xf32, #tpu.memory_space<vmem>>, vector<1x16xf32>,
          %lt3A_126 = arith.constant 1 : i32
          %lt3A_127 = vector.broadcast %lt3A_126 : i32 to vector<16xi32>
          %lt3A_128 = arith.cmpi slt, %iota3A, %lt3A_127 : vector<16xi32>
          %jit3A = arith.constant 0.000000e+00 : f32
          %broadcast_in_dim3A = vector.broadcast %jit3A : f32 to vector<16xf32>
          %select_n3A_129 = arith.select %lt3A_128, %exp3A, %broadcast_in_dim3A : vector<16xi1>, vector<16xf32>
          %swap3A_130 = arith.index_cast %scan3A_101 : i32 to index
          %swap3A_131 = arith.constant 16 : index
          %swap3A_132 = tpu.vector_load %arg10[%swap3A_130, %swap3A_131] {strides = array<i32>} : memref<96x32xf32, #tpu.memory_space<vmem>>, vector<1x16xf32>,
          %swap3A_133 = vector.shape_cast %swap3A_132 : vector<1x16xf32> to vector<16xf32>
          %swap3A_134 = vector.shape_cast %select_n3A_129 : vector<16xf32> to vector<1x16xf32>
          tpu.vector_store %arg10[%swap3A_130, %swap3A_131], %swap3A_134 {strides = array<i32>} : memref<96x32xf32, #tpu.memory_space<vmem>>, vector<1x16xf32>,
          %scan3A_135 = arith.constant 0 : i32
          scf.yield %scan3A_135 : i32
        }
        %scan3A_74 = arith.constant 96 : i32
        "tpu.region"() ({
          %run_scoped3A = tpu.sem_alloc : memref<!tpu.dma_semaphore, #tpu.memory_space<semaphore_mem>>
          %dma_start3A_101 = arith.constant 0 : i32
          %dma_start3A_102 = tpu.memref_slice %arg9[%mul3A_40, %dma_start3A_101] : memref<36x96xi32, #tpu.memory_space<vmem>> -> memref<1x96xi32, #tpu.memory_space<vmem>>
          %dma_start3A_103 = tpu.memref_squeeze %dma_start3A_102 : memref<1x96xi32, #tpu.memory_space<vmem>> -> memref<96xi32, #tpu.memory_space<vmem>>
          %dma_start3A_104 = arith.constant 0 : i32
          %dma_start3A_105 = arith.constant 0 : i32
          %dma_start3A_106 = tpu.memref_slice %arg14[%dma_start3A_104, %dma_start3A_105] : memref<10240x32xf32, #tpu.memory_space<vmem_shared>> -> memref<10240x32xf32, #tpu.memory_space<vmem_shared>>
          tpu.enqueue_indirect_dma source(%arg10 : memref<96x32xf32, #tpu.memory_space<vmem>>) target(%dma_start3A_106 : memref<10240x32xf32, #tpu.memory_space<vmem_shared>>) offsets(%dma_start3A_103 : memref<96xi32, #tpu.memory_space<vmem>>) semaphore(%run_scoped3A : memref<!tpu.dma_semaphore, #tpu.memory_space<semaphore_mem>>) {add = true}
          %dma_wait3A_107 = arith.constant 0 : i32
          %dma_wait3A_108 = tpu.memref_slice %arg9[%mul3A_40, %dma_wait3A_107] : memref<36x96xi32, #tpu.memory_space<vmem>> -> memref<1x96xi32, #tpu.memory_space<vmem>>
          %dma_wait3A_109 = tpu.memref_squeeze %dma_wait3A_108 : memref<1x96xi32, #tpu.memory_space<vmem>> -> memref<96xi32, #tpu.memory_space<vmem>>
          %dma_wait3A_110 = arith.constant 0 : i32
          %dma_wait3A_111 = arith.constant 0 : i32
          %dma_wait3A_112 = tpu.memref_slice %arg14[%dma_wait3A_110, %dma_wait3A_111] : memref<10240x32xf32, #tpu.memory_space<vmem_shared>> -> memref<10240x32xf32, #tpu.memory_space<vmem_shared>>
          tpu.wait_indirect_dma semaphore(%run_scoped3A : memref<!tpu.dma_semaphore, #tpu.memory_space<semaphore_mem>>) src(%arg10 : memref<96x32xf32, #tpu.memory_space<vmem>>) dst(%dma_wait3A_112 : memref<10240x32xf32, #tpu.memory_space<vmem_shared>>)
          tpu.yield
        }) : () -> ()
        %lt3A = arith.constant 17 : i32
        %lt3A_75 = arith.cmpi slt, %scan3A_37, %lt3A : i32
        %convert_element_type3A = arith.extui %lt3A_75 : i1 to i32
        %cond3A = arith.constant 0 : i32
        %cond3A_76 = arith.cmpi ne, %convert_element_type3A, %cond3A : i32
        scf.if %cond3A_76 {
          %add3A_101 = arith.constant 2 : i32
          %add3A_102 = arith.addi %mul3A_40, %add3A_101 : i32
          %dma_start3A_103 = arith.constant 0 : i32
          %dma_start3A_104 = tpu.memref_slice %arg8[%add3A_102, %dma_start3A_103] : memref<36x96xi32, #tpu.memory_space<vmem>> -> memref<1x96xi32, #tpu.memory_space<vmem>>
          %dma_start3A_105 = tpu.memref_squeeze %dma_start3A_104 : memref<1x96xi32, #tpu.memory_space<vmem>> -> memref<96xi32, #tpu.memory_space<vmem>>
          %dma_start3A_106 = arith.constant 0 : i32
          %dma_start3A_107 = arith.constant 0 : i32
          %dma_start3A_108 = tpu.memref_slice %arg15[%dma_start3A_106, %dma_start3A_107] : memref<10240x32xf32, #tpu.memory_space<vmem_shared>> -> memref<10240x32xf32, #tpu.memory_space<vmem_shared>>
          tpu.enqueue_indirect_dma source(%dma_start3A_108 : memref<10240x32xf32, #tpu.memory_space<vmem_shared>>) target(%arg10 : memref<96x32xf32, #tpu.memory_space<vmem>>) offsets(%dma_start3A_105 : memref<96xi32, #tpu.memory_space<vmem>>) semaphore(%arg17 : memref<!tpu.dma_semaphore, #tpu.memory_space<semaphore_mem>>)
          %dma_start3A_109 = arith.constant 0 : i32
          %dma_start3A_110 = tpu.memref_slice %arg9[%add3A_102, %dma_start3A_109] : memref<36x96xi32, #tpu.memory_space<vmem>> -> memref<1x96xi32, #tpu.memory_space<vmem>>
          %dma_start3A_111 = tpu.memref_squeeze %dma_start3A_110 : memref<1x96xi32, #tpu.memory_space<vmem>> -> memref<96xi32, #tpu.memory_space<vmem>>
          %dma_start3A_112 = arith.constant 0 : i32
          %dma_start3A_113 = arith.constant 0 : i32
          %dma_start3A_114 = tpu.memref_slice %arg16[%dma_start3A_112, %dma_start3A_113] : memref<10240x16xf32, #tpu.memory_space<vmem_shared>> -> memref<10240x16xf32, #tpu.memory_space<vmem_shared>>
          tpu.enqueue_indirect_dma source(%dma_start3A_114 : memref<10240x16xf32, #tpu.memory_space<vmem_shared>>) target(%arg12 : memref<96x16xf32, #tpu.memory_space<vmem>>) offsets(%dma_start3A_111 : memref<96xi32, #tpu.memory_space<vmem>>) semaphore(%arg17 : memref<!tpu.dma_semaphore, #tpu.memory_space<semaphore_mem>>)
        } else {
        }
        %add3A_77 = arith.constant 1 : i32
        %add3A_78 = arith.addi %mul3A_40, %add3A_77 : i32
        %dma_wait3A_79 = arith.constant 0 : i32
        %dma_wait3A_80 = arith.constant 0 : i32
        %dma_wait3A_81 = tpu.memref_slice %arg8[%dma_wait3A_79, %dma_wait3A_80] : memref<36x96xi32, #tpu.memory_space<vmem>> -> memref<1x96xi32, #tpu.memory_space<vmem>>
        %dma_wait3A_82 = tpu.memref_squeeze %dma_wait3A_81 : memref<1x96xi32, #tpu.memory_space<vmem>> -> memref<96xi32, #tpu.memory_space<vmem>>
        %dma_wait3A_83 = arith.constant 0 : i32
        %dma_wait3A_84 = arith.constant 0 : i32
        %dma_wait3A_85 = tpu.memref_slice %arg15[%dma_wait3A_83, %dma_wait3A_84] : memref<10240x32xf32, #tpu.memory_space<vmem_shared>> -> memref<10240x32xf32, #tpu.memory_space<vmem_shared>>
        tpu.wait_indirect_dma semaphore(%arg18 : memref<!tpu.dma_semaphore, #tpu.memory_space<semaphore_mem>>) src(%dma_wait3A_85 : memref<10240x32xf32, #tpu.memory_space<vmem_shared>>) dst(%arg11 : memref<96x32xf32, #tpu.memory_space<vmem>>)
        %dma_wait3A_86 = arith.constant 0 : i32
        %dma_wait3A_87 = arith.constant 0 : i32
        %dma_wait3A_88 = tpu.memref_slice %arg9[%dma_wait3A_86, %dma_wait3A_87] : memref<36x96xi32, #tpu.memory_space<vmem>> -> memref<1x96xi32, #tpu.memory_space<vmem>>
        %dma_wait3A_89 = tpu.memref_squeeze %dma_wait3A_88 : memref<1x96xi32, #tpu.memory_space<vmem>> -> memref<96xi32, #tpu.memory_space<vmem>>
        %dma_wait3A_90 = arith.constant 0 : i32
        %dma_wait3A_91 = arith.constant 0 : i32
        %dma_wait3A_92 = tpu.memref_slice %arg16[%dma_wait3A_90, %dma_wait3A_91] : memref<10240x16xf32, #tpu.memory_space<vmem_shared>> -> memref<10240x16xf32, #tpu.memory_space<vmem_shared>>
        tpu.wait_indirect_dma semaphore(%arg18 : memref<!tpu.dma_semaphore, #tpu.memory_space<semaphore_mem>>) src(%dma_wait3A_92 : memref<10240x16xf32, #tpu.memory_space<vmem_shared>>) dst(%arg13 : memref<96x16xf32, #tpu.memory_space<vmem>>)
        %scan3A_93 = arith.constant 0 : i32
        %scan3A_94 = arith.constant 0 : i32
        %scan3A_95 = arith.constant 96 : i32
        %scan3A_96 = arith.addi %scan3A_94, %scan3A_95 : i32
        %scan3A_97 = arith.constant 1 : i32
        %scan3A_98 = scf.for %scan3A_101 = %scan3A_94 to %scan3A_96 step %scan3A_97 iter_args(%scan3A_102 = %scan3A_93) -> (i32)  : i32 {
          %get3A = arith.index_cast %scan3A_101 : i32 to index
          %get3A_103 = arith.constant 16 : index
          %get3A_104 = tpu.vector_load %arg11[%get3A, %get3A_103] {strides = array<i32>} : memref<96x32xf32, #tpu.memory_space<vmem>>, vector<1x16xf32>,
          %get3A_105 = vector.shape_cast %get3A_104 : vector<1x16xf32> to vector<16xf32>
          %get3A_106 = arith.index_cast %scan3A_101 : i32 to index
          %get3A_107 = arith.constant 0 : index
          %get3A_108 = tpu.vector_load %arg13[%get3A_106, %get3A_107] {strides = array<i32>} : memref<96x16xf32, #tpu.memory_space<vmem>>, vector<1x16xf32>,
          %get3A_109 = vector.shape_cast %get3A_108 : vector<1x16xf32> to vector<16xf32>
          %add3A_110 = arith.addf %get3A_105, %get3A_109 : vector<16xf32>
          %ge3A = arith.constant 0.000000e+00 : f32
          %ge3A_111 = vector.broadcast %ge3A : f32 to vector<16xf32>
          %ge3A_112 = arith.cmpf oge, %add3A_110, %ge3A_111 : vector<16xf32>
          %mul3A_113 = arith.constant 2.000000e-01 : f32
          %mul3A_114 = vector.broadcast %mul3A_113 : f32 to vector<16xf32>
          %mul3A_115 = arith.mulf %add3A_110, %mul3A_114 : vector<16xf32>
          %select_n3A = arith.select %ge3A_112, %add3A_110, %mul3A_115 : vector<16xi1>, vector<16xf32>
          %exp3A = math.exp %select_n3A : vector<16xf32>
          %get3A_116 = arith.index_cast %scan3A_101 : i32 to index
          %get3A_117 = arith.constant 0 : index
          %get3A_118 = tpu.vector_load %arg11[%get3A_116, %get3A_117] {strides = array<i32>} : memref<96x32xf32, #tpu.memory_space<vmem>>, vector<1x16xf32>,
          %get3A_119 = vector.shape_cast %get3A_118 : vector<1x16xf32> to vector<16xf32>
          %slice3A = vector.extract_strided_slice %exp3A {offsets = [0], sizes = [1], strides = [1]} : vector<16xf32> to vector<1xf32>
          %squeeze3A = vector.extract %slice3A[0] : f32 from vector<1xf32>
          %mul3A_120 = vector.broadcast %squeeze3A : f32 to vector<16xf32>
          %mul3A_121 = arith.mulf %get3A_119, %mul3A_120 : vector<16xf32>
          %swap3A = arith.index_cast %scan3A_101 : i32 to index
          %swap3A_122 = arith.constant 0 : index
          %swap3A_123 = tpu.vector_load %arg11[%swap3A, %swap3A_122] {strides = array<i32>} : memref<96x32xf32, #tpu.memory_space<vmem>>, vector<1x16xf32>,
          %swap3A_124 = vector.shape_cast %swap3A_123 : vector<1x16xf32> to vector<16xf32>
          %swap3A_125 = vector.shape_cast %mul3A_121 : vector<16xf32> to vector<1x16xf32>
          tpu.vector_store %arg11[%swap3A, %swap3A_122], %swap3A_125 {strides = array<i32>} : memref<96x32xf32, #tpu.memory_space<vmem>>, vector<1x16xf32>,
          %lt3A_126 = arith.constant 1 : i32
          %lt3A_127 = vector.broadcast %lt3A_126 : i32 to vector<16xi32>
          %lt3A_128 = arith.cmpi slt, %iota3A, %lt3A_127 : vector<16xi32>
          %jit3A = arith.constant 0.000000e+00 : f32
          %broadcast_in_dim3A = vector.broadcast %jit3A : f32 to vector<16xf32>
          %select_n3A_129 = arith.select %lt3A_128, %exp3A, %broadcast_in_dim3A : vector<16xi1>, vector<16xf32>
          %swap3A_130 = arith.index_cast %scan3A_101 : i32 to index
          %swap3A_131 = arith.constant 16 : index
          %swap3A_132 = tpu.vector_load %arg11[%swap3A_130, %swap3A_131] {strides = array<i32>} : memref<96x32xf32, #tpu.memory_space<vmem>>, vector<1x16xf32>,
          %swap3A_133 = vector.shape_cast %swap3A_132 : vector<1x16xf32> to vector<16xf32>
          %swap3A_134 = vector.shape_cast %select_n3A_129 : vector<16xf32> to vector<1x16xf32>
          tpu.vector_store %arg11[%swap3A_130, %swap3A_131], %swap3A_134 {strides = array<i32>} : memref<96x32xf32, #tpu.memory_space<vmem>>, vector<1x16xf32>,
          %scan3A_135 = arith.constant 0 : i32
          scf.yield %scan3A_135 : i32
        }
        %scan3A_99 = arith.constant 96 : i32
        "tpu.region"() ({
          %run_scoped3A = tpu.sem_alloc : memref<!tpu.dma_semaphore, #tpu.memory_space<semaphore_mem>>
          %dma_start3A_101 = arith.constant 0 : i32
          %dma_start3A_102 = tpu.memref_slice %arg9[%add3A_78, %dma_start3A_101] : memref<36x96xi32, #tpu.memory_space<vmem>> -> memref<1x96xi32, #tpu.memory_space<vmem>>
          %dma_start3A_103 = tpu.memref_squeeze %dma_start3A_102 : memref<1x96xi32, #tpu.memory_space<vmem>> -> memref<96xi32, #tpu.memory_space<vmem>>
          %dma_start3A_104 = arith.constant 0 : i32
          %dma_start3A_105 = arith.constant 0 : i32
          %dma_start3A_106 = tpu.memref_slice %arg14[%dma_start3A_104, %dma_start3A_105] : memref<10240x32xf32, #tpu.memory_space<vmem_shared>> -> memref<10240x32xf32, #tpu.memory_space<vmem_shared>>
          tpu.enqueue_indirect_dma source(%arg11 : memref<96x32xf32, #tpu.memory_space<vmem>>) target(%dma_start3A_106 : memref<10240x32xf32, #tpu.memory_space<vmem_shared>>) offsets(%dma_start3A_103 : memref<96xi32, #tpu.memory_space<vmem>>) semaphore(%run_scoped3A : memref<!tpu.dma_semaphore, #tpu.memory_space<semaphore_mem>>) {add = true}
          %dma_wait3A_107 = arith.constant 0 : i32
          %dma_wait3A_108 = tpu.memref_slice %arg9[%add3A_78, %dma_wait3A_107] : memref<36x96xi32, #tpu.memory_space<vmem>> -> memref<1x96xi32, #tpu.memory_space<vmem>>
          %dma_wait3A_109 = tpu.memref_squeeze %dma_wait3A_108 : memref<1x96xi32, #tpu.memory_space<vmem>> -> memref<96xi32, #tpu.memory_space<vmem>>
          %dma_wait3A_110 = arith.constant 0 : i32
          %dma_wait3A_111 = arith.constant 0 : i32
          %dma_wait3A_112 = tpu.memref_slice %arg14[%dma_wait3A_110, %dma_wait3A_111] : memref<10240x32xf32, #tpu.memory_space<vmem_shared>> -> memref<10240x32xf32, #tpu.memory_space<vmem_shared>>
          tpu.wait_indirect_dma semaphore(%run_scoped3A : memref<!tpu.dma_semaphore, #tpu.memory_space<semaphore_mem>>) src(%arg11 : memref<96x32xf32, #tpu.memory_space<vmem>>) dst(%dma_wait3A_112 : memref<10240x32xf32, #tpu.memory_space<vmem_shared>>)
          tpu.yield
        }) : () -> ()
        %scan3A_100 = arith.constant 0 : i32
        scf.yield %scan3A_100 : i32
      }
      %scan3A_35 = arith.constant 18 : i32
      %scan3A_36 = arith.constant 0 : i32
      scf.yield %scan3A_36 : i32
    }
    %scan3A_8 = arith.constant 3 : i32
    %barrier3A_9 = arith.constant 0 : index
    tpu.barrier barrier_id(%barrier3A_9)
    "tpu.region"() ({
      %run_scoped3A = tpu.sem_alloc : memref<!tpu.dma_semaphore, #tpu.memory_space<semaphore_mem>>
      %dma_start3A = arith.constant 0 : i32
      %dma_start3A_10 = tpu.memref_slice %arg7[%arg0, %mul3A_2, %dma_start3A] : memref<2x10240x32xf32, #tpu.memory_space<hbm>> -> memref<1x640x32xf32, #tpu.memory_space<hbm>>
      %dma_start3A_11 = tpu.memref_squeeze %dma_start3A_10 : memref<1x640x32xf32, #tpu.memory_space<hbm>> -> memref<640x32xf32, #tpu.memory_space<hbm>>
      %dma_start3A_12 = arith.constant 0 : i32
      %dma_start3A_13 = tpu.memref_slice %arg14[%mul3A_2, %dma_start3A_12] : memref<10240x32xf32, #tpu.memory_space<vmem_shared>> -> memref<640x32xf32, #tpu.memory_space<vmem_shared>>
      tpu.enqueue_dma source(%dma_start3A_13 : memref<640x32xf32, #tpu.memory_space<vmem_shared>>) target(%dma_start3A_11 : memref<640x32xf32, #tpu.memory_space<hbm>>) target_semaphore(%run_scoped3A : memref<!tpu.dma_semaphore, #tpu.memory_space<semaphore_mem>>)
      %dma_wait3A = arith.constant 0 : i32
      %dma_wait3A_14 = tpu.memref_slice %arg7[%arg0, %mul3A_2, %dma_wait3A] : memref<2x10240x32xf32, #tpu.memory_space<hbm>> -> memref<1x640x32xf32, #tpu.memory_space<hbm>>
      %dma_wait3A_15 = tpu.memref_squeeze %dma_wait3A_14 : memref<1x640x32xf32, #tpu.memory_space<hbm>> -> memref<640x32xf32, #tpu.memory_space<hbm>>
      %dma_wait3A_16 = arith.constant 0 : i32
      %dma_wait3A_17 = tpu.memref_slice %arg14[%mul3A_2, %dma_wait3A_16] : memref<10240x32xf32, #tpu.memory_space<vmem_shared>> -> memref<640x32xf32, #tpu.memory_space<vmem_shared>>
      tpu.wait_dma2 semaphore(%run_scoped3A : memref<!tpu.dma_semaphore, #tpu.memory_space<semaphore_mem>>) src(%dma_wait3A_17 : memref<640x32xf32, #tpu.memory_space<vmem_shared>>) dst(%dma_wait3A_15 : memref<640x32xf32, #tpu.memory_space<hbm>>)
      tpu.yield
    }) : () -> ()
    return
  }
}

#map = affine_map<(d0, d1) -> (0, 0)>
#map1 = affine_map<(d0, d1) -> (0, 0, 0)>
module attributes {stable_mosaic.version = 14 : i64} {
  func.func @body(%arg0: i32, %arg1: i32, %arg2: memref<10240x144xf32, #tpu.memory_space<hbm>>, %arg3: memref<10240x16xf32, #tpu.memory_space<hbm>>, %arg4: memref<32x108x96xi32, #tpu.memory_space<hbm>>, %arg5: memref<32x108x96xi32, #tpu.memory_space<hbm>>, %arg6: memref<640x144xf32, #tpu.memory_space<hbm>>, %arg7: memref<2x10240x144xf32, #tpu.memory_space<hbm>>, %arg8: memref<36x96xi32, #tpu.memory_space<vmem>>, %arg9: memref<36x96xi32, #tpu.memory_space<vmem>>, %arg10: memref<96x144xf32, #tpu.memory_space<vmem>>, %arg11: memref<96x144xf32, #tpu.memory_space<vmem>>, %arg12: memref<96x16xf32, #tpu.memory_space<vmem>>, %arg13: memref<96x16xf32, #tpu.memory_space<vmem>>, %arg14: memref<10240x144xf32, #tpu.memory_space<vmem_shared>>, %arg15: memref<!tpu.dma_semaphore, #tpu.memory_space<semaphore_mem>>, %arg16: memref<!tpu.dma_semaphore, #tpu.memory_space<semaphore_mem>>) attributes {dimension_semantics = [#tpu.dimension_semantics<core_parallel>, #tpu.dimension_semantics<subcore_parallel>], iteration_bounds = array<i64: 2, 16>, scalar_prefetch = 0 : i64, scratch_operands = 9 : i64, tpu.core_type = #tpu.core_type<sc_vector_subcore>, window_params = [{transform_indices = #map}, {transform_indices = #map}, {transform_indices = #map1}, {transform_indices = #map1}, {transform_indices = #map}, {transform_indices = #map1}]} {
    %mul3A = arith.constant 16 : i32
    %mul3A_0 = arith.muli %arg0, %mul3A : i32
    %add3A = arith.addi %mul3A_0, %arg1 : i32
    %mul3A_1 = arith.constant 640 : i32
    %mul3A_2 = arith.muli %arg1, %mul3A_1 : i32
    "tpu.region"() ({
      %run_scoped3A = tpu.sem_alloc : memref<!tpu.dma_semaphore, #tpu.memory_space<semaphore_mem>>
      %dma_start3A = arith.constant 0 : i32
      %dma_start3A_10 = tpu.memref_slice %arg14[%mul3A_2, %dma_start3A] : memref<10240x144xf32, #tpu.memory_space<vmem_shared>> -> memref<640x144xf32, #tpu.memory_space<vmem_shared>>
      tpu.enqueue_dma source(%arg6 : memref<640x144xf32, #tpu.memory_space<hbm>>) target(%dma_start3A_10 : memref<640x144xf32, #tpu.memory_space<vmem_shared>>) target_semaphore(%run_scoped3A : memref<!tpu.dma_semaphore, #tpu.memory_space<semaphore_mem>>)
      %dma_wait3A = arith.constant 0 : i32
      %dma_wait3A_11 = tpu.memref_slice %arg14[%mul3A_2, %dma_wait3A] : memref<10240x144xf32, #tpu.memory_space<vmem_shared>> -> memref<640x144xf32, #tpu.memory_space<vmem_shared>>
      tpu.wait_dma2 semaphore(%run_scoped3A : memref<!tpu.dma_semaphore, #tpu.memory_space<semaphore_mem>>) src(%arg6 : memref<640x144xf32, #tpu.memory_space<hbm>>) dst(%dma_wait3A_11 : memref<640x144xf32, #tpu.memory_space<vmem_shared>>)
      tpu.yield
    }) : () -> ()
    %barrier3A = arith.constant 0 : index
    tpu.barrier barrier_id(%barrier3A)
    %iota3A = tpu.iota {dimensions = array<i32: 0>} : vector<16xi32>
    %scan3A = arith.constant 0 : i32
    %scan3A_3 = arith.constant 0 : i32
    %scan3A_4 = arith.constant 3 : i32
    %scan3A_5 = arith.addi %scan3A_3, %scan3A_4 : i32
    %scan3A_6 = arith.constant 1 : i32
    %scan3A_7 = scf.for %scan3A_10 = %scan3A_3 to %scan3A_5 step %scan3A_6 iter_args(%scan3A_11 = %scan3A) -> (i32)  : i32 {
      %mul3A_12 = arith.constant 36 : i32
      %mul3A_13 = arith.muli %scan3A_10, %mul3A_12 : i32
      "tpu.region"() ({
        %run_scoped3A = tpu.sem_alloc : memref<!tpu.dma_semaphore, #tpu.memory_space<semaphore_mem>>
        %dma_start3A_37 = arith.constant 0 : i32
        %dma_start3A_38 = tpu.memref_slice %arg4[%add3A, %mul3A_13, %dma_start3A_37] : memref<32x108x96xi32, #tpu.memory_space<hbm>> -> memref<1x36x96xi32, #tpu.memory_space<hbm>>
        %dma_start3A_39 = tpu.memref_squeeze %dma_start3A_38 : memref<1x36x96xi32, #tpu.memory_space<hbm>> -> memref<36x96xi32, #tpu.memory_space<hbm>>
        %dma_start3A_40 = arith.constant 0 : i32
        %dma_start3A_41 = tpu.memref_slice %arg4[%add3A, %mul3A_13, %dma_start3A_40] : memref<32x108x96xi32, #tpu.memory_space<hbm>> -> memref<1x36x96xi32, #tpu.memory_space<hbm>>
        %dma_start3A_42 = tpu.memref_squeeze %dma_start3A_41 : memref<1x36x96xi32, #tpu.memory_space<hbm>> -> memref<36x96xi32, #tpu.memory_space<hbm>>
        tpu.enqueue_dma source(%dma_start3A_42 : memref<36x96xi32, #tpu.memory_space<hbm>>) target(%arg8 : memref<36x96xi32, #tpu.memory_space<vmem>>) target_semaphore(%run_scoped3A : memref<!tpu.dma_semaphore, #tpu.memory_space<semaphore_mem>>)
        %dma_wait3A = arith.constant 0 : i32
        %dma_wait3A_43 = tpu.memref_slice %arg4[%add3A, %mul3A_13, %dma_wait3A] : memref<32x108x96xi32, #tpu.memory_space<hbm>> -> memref<1x36x96xi32, #tpu.memory_space<hbm>>
        %dma_wait3A_44 = tpu.memref_squeeze %dma_wait3A_43 : memref<1x36x96xi32, #tpu.memory_space<hbm>> -> memref<36x96xi32, #tpu.memory_space<hbm>>
        %dma_wait3A_45 = arith.constant 0 : i32
        %dma_wait3A_46 = tpu.memref_slice %arg4[%add3A, %mul3A_13, %dma_wait3A_45] : memref<32x108x96xi32, #tpu.memory_space<hbm>> -> memref<1x36x96xi32, #tpu.memory_space<hbm>>
        %dma_wait3A_47 = tpu.memref_squeeze %dma_wait3A_46 : memref<1x36x96xi32, #tpu.memory_space<hbm>> -> memref<36x96xi32, #tpu.memory_space<hbm>>
        tpu.wait_dma2 semaphore(%run_scoped3A : memref<!tpu.dma_semaphore, #tpu.memory_space<semaphore_mem>>) src(%dma_wait3A_47 : memref<36x96xi32, #tpu.memory_space<hbm>>) dst(%arg8 : memref<36x96xi32, #tpu.memory_space<vmem>>)
        tpu.yield
      }) : () -> ()
      %mul3A_14 = arith.constant 36 : i32
      %mul3A_15 = arith.muli %scan3A_10, %mul3A_14 : i32
      "tpu.region"() ({
        %run_scoped3A = tpu.sem_alloc : memref<!tpu.dma_semaphore, #tpu.memory_space<semaphore_mem>>
        %dma_start3A_37 = arith.constant 0 : i32
        %dma_start3A_38 = tpu.memref_slice %arg5[%add3A, %mul3A_15, %dma_start3A_37] : memref<32x108x96xi32, #tpu.memory_space<hbm>> -> memref<1x36x96xi32, #tpu.memory_space<hbm>>
        %dma_start3A_39 = tpu.memref_squeeze %dma_start3A_38 : memref<1x36x96xi32, #tpu.memory_space<hbm>> -> memref<36x96xi32, #tpu.memory_space<hbm>>
        %dma_start3A_40 = arith.constant 0 : i32
        %dma_start3A_41 = tpu.memref_slice %arg5[%add3A, %mul3A_15, %dma_start3A_40] : memref<32x108x96xi32, #tpu.memory_space<hbm>> -> memref<1x36x96xi32, #tpu.memory_space<hbm>>
        %dma_start3A_42 = tpu.memref_squeeze %dma_start3A_41 : memref<1x36x96xi32, #tpu.memory_space<hbm>> -> memref<36x96xi32, #tpu.memory_space<hbm>>
        tpu.enqueue_dma source(%dma_start3A_42 : memref<36x96xi32, #tpu.memory_space<hbm>>) target(%arg9 : memref<36x96xi32, #tpu.memory_space<vmem>>) target_semaphore(%run_scoped3A : memref<!tpu.dma_semaphore, #tpu.memory_space<semaphore_mem>>)
        %dma_wait3A = arith.constant 0 : i32
        %dma_wait3A_43 = tpu.memref_slice %arg5[%add3A, %mul3A_15, %dma_wait3A] : memref<32x108x96xi32, #tpu.memory_space<hbm>> -> memref<1x36x96xi32, #tpu.memory_space<hbm>>
        %dma_wait3A_44 = tpu.memref_squeeze %dma_wait3A_43 : memref<1x36x96xi32, #tpu.memory_space<hbm>> -> memref<36x96xi32, #tpu.memory_space<hbm>>
        %dma_wait3A_45 = arith.constant 0 : i32
        %dma_wait3A_46 = tpu.memref_slice %arg5[%add3A, %mul3A_15, %dma_wait3A_45] : memref<32x108x96xi32, #tpu.memory_space<hbm>> -> memref<1x36x96xi32, #tpu.memory_space<hbm>>
        %dma_wait3A_47 = tpu.memref_squeeze %dma_wait3A_46 : memref<1x36x96xi32, #tpu.memory_space<hbm>> -> memref<36x96xi32, #tpu.memory_space<hbm>>
        tpu.wait_dma2 semaphore(%run_scoped3A : memref<!tpu.dma_semaphore, #tpu.memory_space<semaphore_mem>>) src(%dma_wait3A_47 : memref<36x96xi32, #tpu.memory_space<hbm>>) dst(%arg9 : memref<36x96xi32, #tpu.memory_space<vmem>>)
        tpu.yield
      }) : () -> ()
      %dma_start3A = arith.constant 0 : i32
      %dma_start3A_16 = arith.constant 0 : i32
      %dma_start3A_17 = tpu.memref_slice %arg8[%dma_start3A, %dma_start3A_16] : memref<36x96xi32, #tpu.memory_space<vmem>> -> memref<1x96xi32, #tpu.memory_space<vmem>>
      %dma_start3A_18 = tpu.memref_squeeze %dma_start3A_17 : memref<1x96xi32, #tpu.memory_space<vmem>> -> memref<96xi32, #tpu.memory_space<vmem>>
      %dma_start3A_19 = arith.constant 0 : i32
      %dma_start3A_20 = arith.constant 0 : i32
      %dma_start3A_21 = tpu.memref_slice %arg2[%dma_start3A_19, %dma_start3A_20] : memref<10240x144xf32, #tpu.memory_space<hbm>> -> memref<10240x144xf32, #tpu.memory_space<hbm>>
      tpu.enqueue_indirect_dma source(%dma_start3A_21 : memref<10240x144xf32, #tpu.memory_space<hbm>>) target(%arg10 : memref<96x144xf32, #tpu.memory_space<vmem>>) offsets(%dma_start3A_18 : memref<96xi32, #tpu.memory_space<vmem>>) semaphore(%arg15 : memref<!tpu.dma_semaphore, #tpu.memory_space<semaphore_mem>>)
      %dma_start3A_22 = arith.constant 0 : i32
      %dma_start3A_23 = arith.constant 0 : i32
      %dma_start3A_24 = tpu.memref_slice %arg9[%dma_start3A_22, %dma_start3A_23] : memref<36x96xi32, #tpu.memory_space<vmem>> -> memref<1x96xi32, #tpu.memory_space<vmem>>
      %dma_start3A_25 = tpu.memref_squeeze %dma_start3A_24 : memref<1x96xi32, #tpu.memory_space<vmem>> -> memref<96xi32, #tpu.memory_space<vmem>>
      %dma_start3A_26 = arith.constant 0 : i32
      %dma_start3A_27 = arith.constant 0 : i32
      %dma_start3A_28 = tpu.memref_slice %arg3[%dma_start3A_26, %dma_start3A_27] : memref<10240x16xf32, #tpu.memory_space<hbm>> -> memref<10240x16xf32, #tpu.memory_space<hbm>>
      tpu.enqueue_indirect_dma source(%dma_start3A_28 : memref<10240x16xf32, #tpu.memory_space<hbm>>) target(%arg12 : memref<96x16xf32, #tpu.memory_space<vmem>>) offsets(%dma_start3A_25 : memref<96xi32, #tpu.memory_space<vmem>>) semaphore(%arg15 : memref<!tpu.dma_semaphore, #tpu.memory_space<semaphore_mem>>)
      %scan3A_29 = arith.constant 0 : i32
      %scan3A_30 = arith.constant 0 : i32
      %scan3A_31 = arith.constant 18 : i32
      %scan3A_32 = arith.addi %scan3A_30, %scan3A_31 : i32
      %scan3A_33 = arith.constant 1 : i32
      %scan3A_34 = scf.for %scan3A_37 = %scan3A_30 to %scan3A_32 step %scan3A_33 iter_args(%scan3A_38 = %scan3A_29) -> (i32)  : i32 {
        %mul3A_39 = arith.constant 2 : i32
        %mul3A_40 = arith.muli %mul3A_39, %scan3A_37 : i32
        %add3A_41 = arith.constant 1 : i32
        %add3A_42 = arith.addi %mul3A_40, %add3A_41 : i32
        %dma_start3A_43 = arith.constant 0 : i32
        %dma_start3A_44 = tpu.memref_slice %arg8[%add3A_42, %dma_start3A_43] : memref<36x96xi32, #tpu.memory_space<vmem>> -> memref<1x96xi32, #tpu.memory_space<vmem>>
        %dma_start3A_45 = tpu.memref_squeeze %dma_start3A_44 : memref<1x96xi32, #tpu.memory_space<vmem>> -> memref<96xi32, #tpu.memory_space<vmem>>
        %dma_start3A_46 = arith.constant 0 : i32
        %dma_start3A_47 = arith.constant 0 : i32
        %dma_start3A_48 = tpu.memref_slice %arg2[%dma_start3A_46, %dma_start3A_47] : memref<10240x144xf32, #tpu.memory_space<hbm>> -> memref<10240x144xf32, #tpu.memory_space<hbm>>
        tpu.enqueue_indirect_dma source(%dma_start3A_48 : memref<10240x144xf32, #tpu.memory_space<hbm>>) target(%arg11 : memref<96x144xf32, #tpu.memory_space<vmem>>) offsets(%dma_start3A_45 : memref<96xi32, #tpu.memory_space<vmem>>) semaphore(%arg16 : memref<!tpu.dma_semaphore, #tpu.memory_space<semaphore_mem>>)
        %dma_start3A_49 = arith.constant 0 : i32
        %dma_start3A_50 = tpu.memref_slice %arg9[%add3A_42, %dma_start3A_49] : memref<36x96xi32, #tpu.memory_space<vmem>> -> memref<1x96xi32, #tpu.memory_space<vmem>>
        %dma_start3A_51 = tpu.memref_squeeze %dma_start3A_50 : memref<1x96xi32, #tpu.memory_space<vmem>> -> memref<96xi32, #tpu.memory_space<vmem>>
        %dma_start3A_52 = arith.constant 0 : i32
        %dma_start3A_53 = arith.constant 0 : i32
        %dma_start3A_54 = tpu.memref_slice %arg3[%dma_start3A_52, %dma_start3A_53] : memref<10240x16xf32, #tpu.memory_space<hbm>> -> memref<10240x16xf32, #tpu.memory_space<hbm>>
        tpu.enqueue_indirect_dma source(%dma_start3A_54 : memref<10240x16xf32, #tpu.memory_space<hbm>>) target(%arg13 : memref<96x16xf32, #tpu.memory_space<vmem>>) offsets(%dma_start3A_51 : memref<96xi32, #tpu.memory_space<vmem>>) semaphore(%arg16 : memref<!tpu.dma_semaphore, #tpu.memory_space<semaphore_mem>>)
        %dma_wait3A = arith.constant 0 : i32
        %dma_wait3A_55 = arith.constant 0 : i32
        %dma_wait3A_56 = tpu.memref_slice %arg8[%dma_wait3A, %dma_wait3A_55] : memref<36x96xi32, #tpu.memory_space<vmem>> -> memref<1x96xi32, #tpu.memory_space<vmem>>
        %dma_wait3A_57 = tpu.memref_squeeze %dma_wait3A_56 : memref<1x96xi32, #tpu.memory_space<vmem>> -> memref<96xi32, #tpu.memory_space<vmem>>
        %dma_wait3A_58 = arith.constant 0 : i32
        %dma_wait3A_59 = arith.constant 0 : i32
        %dma_wait3A_60 = tpu.memref_slice %arg2[%dma_wait3A_58, %dma_wait3A_59] : memref<10240x144xf32, #tpu.memory_space<hbm>> -> memref<10240x144xf32, #tpu.memory_space<hbm>>
        tpu.wait_indirect_dma semaphore(%arg15 : memref<!tpu.dma_semaphore, #tpu.memory_space<semaphore_mem>>) src(%dma_wait3A_60 : memref<10240x144xf32, #tpu.memory_space<hbm>>) dst(%arg10 : memref<96x144xf32, #tpu.memory_space<vmem>>)
        %dma_wait3A_61 = arith.constant 0 : i32
        %dma_wait3A_62 = arith.constant 0 : i32
        %dma_wait3A_63 = tpu.memref_slice %arg9[%dma_wait3A_61, %dma_wait3A_62] : memref<36x96xi32, #tpu.memory_space<vmem>> -> memref<1x96xi32, #tpu.memory_space<vmem>>
        %dma_wait3A_64 = tpu.memref_squeeze %dma_wait3A_63 : memref<1x96xi32, #tpu.memory_space<vmem>> -> memref<96xi32, #tpu.memory_space<vmem>>
        %dma_wait3A_65 = arith.constant 0 : i32
        %dma_wait3A_66 = arith.constant 0 : i32
        %dma_wait3A_67 = tpu.memref_slice %arg3[%dma_wait3A_65, %dma_wait3A_66] : memref<10240x16xf32, #tpu.memory_space<hbm>> -> memref<10240x16xf32, #tpu.memory_space<hbm>>
        tpu.wait_indirect_dma semaphore(%arg15 : memref<!tpu.dma_semaphore, #tpu.memory_space<semaphore_mem>>) src(%dma_wait3A_67 : memref<10240x16xf32, #tpu.memory_space<hbm>>) dst(%arg12 : memref<96x16xf32, #tpu.memory_space<vmem>>)
        %scan3A_68 = arith.constant 0 : i32
        %scan3A_69 = arith.constant 0 : i32
        %scan3A_70 = arith.constant 96 : i32
        %scan3A_71 = arith.addi %scan3A_69, %scan3A_70 : i32
        %scan3A_72 = arith.constant 1 : i32
        %scan3A_73 = scf.for %scan3A_101 = %scan3A_69 to %scan3A_71 step %scan3A_72 iter_args(%scan3A_102 = %scan3A_68) -> (i32)  : i32 {
          %get3A = arith.index_cast %scan3A_101 : i32 to index
          %get3A_103 = arith.constant 128 : index
          %get3A_104 = tpu.vector_load %arg10[%get3A, %get3A_103] {strides = array<i32>} : memref<96x144xf32, #tpu.memory_space<vmem>>, vector<1x16xf32>,
          %get3A_105 = vector.shape_cast %get3A_104 : vector<1x16xf32> to vector<16xf32>
          %get3A_106 = arith.index_cast %scan3A_101 : i32 to index
          %get3A_107 = arith.constant 0 : index
          %get3A_108 = tpu.vector_load %arg12[%get3A_106, %get3A_107] {strides = array<i32>} : memref<96x16xf32, #tpu.memory_space<vmem>>, vector<1x16xf32>,
          %get3A_109 = vector.shape_cast %get3A_108 : vector<1x16xf32> to vector<16xf32>
          %add3A_110 = arith.addf %get3A_105, %get3A_109 : vector<16xf32>
          %ge3A = arith.constant 0.000000e+00 : f32
          %ge3A_111 = vector.broadcast %ge3A : f32 to vector<16xf32>
          %ge3A_112 = arith.cmpf oge, %add3A_110, %ge3A_111 : vector<16xf32>
          %mul3A_113 = arith.constant 2.000000e-01 : f32
          %mul3A_114 = vector.broadcast %mul3A_113 : f32 to vector<16xf32>
          %mul3A_115 = arith.mulf %add3A_110, %mul3A_114 : vector<16xf32>
          %select_n3A = arith.select %ge3A_112, %add3A_110, %mul3A_115 : vector<16xi1>, vector<16xf32>
          %exp3A = math.exp %select_n3A : vector<16xf32>
          %get3A_116 = arith.index_cast %scan3A_101 : i32 to index
          %get3A_117 = arith.constant 0 : index
          %get3A_118 = tpu.vector_load %arg10[%get3A_116, %get3A_117] {strides = array<i32>} : memref<96x144xf32, #tpu.memory_space<vmem>>, vector<1x16xf32>,
          %get3A_119 = vector.shape_cast %get3A_118 : vector<1x16xf32> to vector<16xf32>
          %slice3A = vector.extract_strided_slice %exp3A {offsets = [0], sizes = [1], strides = [1]} : vector<16xf32> to vector<1xf32>
          %squeeze3A = vector.extract %slice3A[0] : f32 from vector<1xf32>
          %mul3A_120 = vector.broadcast %squeeze3A : f32 to vector<16xf32>
          %mul3A_121 = arith.mulf %get3A_119, %mul3A_120 : vector<16xf32>
          %swap3A = arith.index_cast %scan3A_101 : i32 to index
          %swap3A_122 = arith.constant 0 : index
          %swap3A_123 = tpu.vector_load %arg10[%swap3A, %swap3A_122] {strides = array<i32>} : memref<96x144xf32, #tpu.memory_space<vmem>>, vector<1x16xf32>,
          %swap3A_124 = vector.shape_cast %swap3A_123 : vector<1x16xf32> to vector<16xf32>
          %swap3A_125 = vector.shape_cast %mul3A_121 : vector<16xf32> to vector<1x16xf32>
          tpu.vector_store %arg10[%swap3A, %swap3A_122], %swap3A_125 {strides = array<i32>} : memref<96x144xf32, #tpu.memory_space<vmem>>, vector<1x16xf32>,
          %get3A_126 = arith.index_cast %scan3A_101 : i32 to index
          %get3A_127 = arith.constant 16 : index
          %get3A_128 = tpu.vector_load %arg10[%get3A_126, %get3A_127] {strides = array<i32>} : memref<96x144xf32, #tpu.memory_space<vmem>>, vector<1x16xf32>,
          %get3A_129 = vector.shape_cast %get3A_128 : vector<1x16xf32> to vector<16xf32>
          %slice3A_130 = vector.extract_strided_slice %exp3A {offsets = [1], sizes = [1], strides = [1]} : vector<16xf32> to vector<1xf32>
          %squeeze3A_131 = vector.extract %slice3A_130[0] : f32 from vector<1xf32>
          %mul3A_132 = vector.broadcast %squeeze3A_131 : f32 to vector<16xf32>
          %mul3A_133 = arith.mulf %get3A_129, %mul3A_132 : vector<16xf32>
          %swap3A_134 = arith.index_cast %scan3A_101 : i32 to index
          %swap3A_135 = arith.constant 16 : index
          %swap3A_136 = tpu.vector_load %arg10[%swap3A_134, %swap3A_135] {strides = array<i32>} : memref<96x144xf32, #tpu.memory_space<vmem>>, vector<1x16xf32>,
          %swap3A_137 = vector.shape_cast %swap3A_136 : vector<1x16xf32> to vector<16xf32>
          %swap3A_138 = vector.shape_cast %mul3A_133 : vector<16xf32> to vector<1x16xf32>
          tpu.vector_store %arg10[%swap3A_134, %swap3A_135], %swap3A_138 {strides = array<i32>} : memref<96x144xf32, #tpu.memory_space<vmem>>, vector<1x16xf32>,
          %get3A_139 = arith.index_cast %scan3A_101 : i32 to index
          %get3A_140 = arith.constant 32 : index
          %get3A_141 = tpu.vector_load %arg10[%get3A_139, %get3A_140] {strides = array<i32>} : memref<96x144xf32, #tpu.memory_space<vmem>>, vector<1x16xf32>,
          %get3A_142 = vector.shape_cast %get3A_141 : vector<1x16xf32> to vector<16xf32>
          %slice3A_143 = vector.extract_strided_slice %exp3A {offsets = [2], sizes = [1], strides = [1]} : vector<16xf32> to vector<1xf32>
          %squeeze3A_144 = vector.extract %slice3A_143[0] : f32 from vector<1xf32>
          %mul3A_145 = vector.broadcast %squeeze3A_144 : f32 to vector<16xf32>
          %mul3A_146 = arith.mulf %get3A_142, %mul3A_145 : vector<16xf32>
          %swap3A_147 = arith.index_cast %scan3A_101 : i32 to index
          %swap3A_148 = arith.constant 32 : index
          %swap3A_149 = tpu.vector_load %arg10[%swap3A_147, %swap3A_148] {strides = array<i32>} : memref<96x144xf32, #tpu.memory_space<vmem>>, vector<1x16xf32>,
          %swap3A_150 = vector.shape_cast %swap3A_149 : vector<1x16xf32> to vector<16xf32>
          %swap3A_151 = vector.shape_cast %mul3A_146 : vector<16xf32> to vector<1x16xf32>
          tpu.vector_store %arg10[%swap3A_147, %swap3A_148], %swap3A_151 {strides = array<i32>} : memref<96x144xf32, #tpu.memory_space<vmem>>, vector<1x16xf32>,
          %get3A_152 = arith.index_cast %scan3A_101 : i32 to index
          %get3A_153 = arith.constant 48 : index
          %get3A_154 = tpu.vector_load %arg10[%get3A_152, %get3A_153] {strides = array<i32>} : memref<96x144xf32, #tpu.memory_space<vmem>>, vector<1x16xf32>,
          %get3A_155 = vector.shape_cast %get3A_154 : vector<1x16xf32> to vector<16xf32>
          %slice3A_156 = vector.extract_strided_slice %exp3A {offsets = [3], sizes = [1], strides = [1]} : vector<16xf32> to vector<1xf32>
          %squeeze3A_157 = vector.extract %slice3A_156[0] : f32 from vector<1xf32>
          %mul3A_158 = vector.broadcast %squeeze3A_157 : f32 to vector<16xf32>
          %mul3A_159 = arith.mulf %get3A_155, %mul3A_158 : vector<16xf32>
          %swap3A_160 = arith.index_cast %scan3A_101 : i32 to index
          %swap3A_161 = arith.constant 48 : index
          %swap3A_162 = tpu.vector_load %arg10[%swap3A_160, %swap3A_161] {strides = array<i32>} : memref<96x144xf32, #tpu.memory_space<vmem>>, vector<1x16xf32>,
          %swap3A_163 = vector.shape_cast %swap3A_162 : vector<1x16xf32> to vector<16xf32>
          %swap3A_164 = vector.shape_cast %mul3A_159 : vector<16xf32> to vector<1x16xf32>
          tpu.vector_store %arg10[%swap3A_160, %swap3A_161], %swap3A_164 {strides = array<i32>} : memref<96x144xf32, #tpu.memory_space<vmem>>, vector<1x16xf32>,
          %get3A_165 = arith.index_cast %scan3A_101 : i32 to index
          %get3A_166 = arith.constant 64 : index
          %get3A_167 = tpu.vector_load %arg10[%get3A_165, %get3A_166] {strides = array<i32>} : memref<96x144xf32, #tpu.memory_space<vmem>>, vector<1x16xf32>,
          %get3A_168 = vector.shape_cast %get3A_167 : vector<1x16xf32> to vector<16xf32>
          %slice3A_169 = vector.extract_strided_slice %exp3A {offsets = [4], sizes = [1], strides = [1]} : vector<16xf32> to vector<1xf32>
          %squeeze3A_170 = vector.extract %slice3A_169[0] : f32 from vector<1xf32>
          %mul3A_171 = vector.broadcast %squeeze3A_170 : f32 to vector<16xf32>
          %mul3A_172 = arith.mulf %get3A_168, %mul3A_171 : vector<16xf32>
          %swap3A_173 = arith.index_cast %scan3A_101 : i32 to index
          %swap3A_174 = arith.constant 64 : index
          %swap3A_175 = tpu.vector_load %arg10[%swap3A_173, %swap3A_174] {strides = array<i32>} : memref<96x144xf32, #tpu.memory_space<vmem>>, vector<1x16xf32>,
          %swap3A_176 = vector.shape_cast %swap3A_175 : vector<1x16xf32> to vector<16xf32>
          %swap3A_177 = vector.shape_cast %mul3A_172 : vector<16xf32> to vector<1x16xf32>
          tpu.vector_store %arg10[%swap3A_173, %swap3A_174], %swap3A_177 {strides = array<i32>} : memref<96x144xf32, #tpu.memory_space<vmem>>, vector<1x16xf32>,
          %get3A_178 = arith.index_cast %scan3A_101 : i32 to index
          %get3A_179 = arith.constant 80 : index
          %get3A_180 = tpu.vector_load %arg10[%get3A_178, %get3A_179] {strides = array<i32>} : memref<96x144xf32, #tpu.memory_space<vmem>>, vector<1x16xf32>,
          %get3A_181 = vector.shape_cast %get3A_180 : vector<1x16xf32> to vector<16xf32>
          %slice3A_182 = vector.extract_strided_slice %exp3A {offsets = [5], sizes = [1], strides = [1]} : vector<16xf32> to vector<1xf32>
          %squeeze3A_183 = vector.extract %slice3A_182[0] : f32 from vector<1xf32>
          %mul3A_184 = vector.broadcast %squeeze3A_183 : f32 to vector<16xf32>
          %mul3A_185 = arith.mulf %get3A_181, %mul3A_184 : vector<16xf32>
          %swap3A_186 = arith.index_cast %scan3A_101 : i32 to index
          %swap3A_187 = arith.constant 80 : index
          %swap3A_188 = tpu.vector_load %arg10[%swap3A_186, %swap3A_187] {strides = array<i32>} : memref<96x144xf32, #tpu.memory_space<vmem>>, vector<1x16xf32>,
          %swap3A_189 = vector.shape_cast %swap3A_188 : vector<1x16xf32> to vector<16xf32>
          %swap3A_190 = vector.shape_cast %mul3A_185 : vector<16xf32> to vector<1x16xf32>
          tpu.vector_store %arg10[%swap3A_186, %swap3A_187], %swap3A_190 {strides = array<i32>} : memref<96x144xf32, #tpu.memory_space<vmem>>, vector<1x16xf32>,
          %get3A_191 = arith.index_cast %scan3A_101 : i32 to index
          %get3A_192 = arith.constant 96 : index
          %get3A_193 = tpu.vector_load %arg10[%get3A_191, %get3A_192] {strides = array<i32>} : memref<96x144xf32, #tpu.memory_space<vmem>>, vector<1x16xf32>,
          %get3A_194 = vector.shape_cast %get3A_193 : vector<1x16xf32> to vector<16xf32>
          %slice3A_195 = vector.extract_strided_slice %exp3A {offsets = [6], sizes = [1], strides = [1]} : vector<16xf32> to vector<1xf32>
          %squeeze3A_196 = vector.extract %slice3A_195[0] : f32 from vector<1xf32>
          %mul3A_197 = vector.broadcast %squeeze3A_196 : f32 to vector<16xf32>
          %mul3A_198 = arith.mulf %get3A_194, %mul3A_197 : vector<16xf32>
          %swap3A_199 = arith.index_cast %scan3A_101 : i32 to index
          %swap3A_200 = arith.constant 96 : index
          %swap3A_201 = tpu.vector_load %arg10[%swap3A_199, %swap3A_200] {strides = array<i32>} : memref<96x144xf32, #tpu.memory_space<vmem>>, vector<1x16xf32>,
          %swap3A_202 = vector.shape_cast %swap3A_201 : vector<1x16xf32> to vector<16xf32>
          %swap3A_203 = vector.shape_cast %mul3A_198 : vector<16xf32> to vector<1x16xf32>
          tpu.vector_store %arg10[%swap3A_199, %swap3A_200], %swap3A_203 {strides = array<i32>} : memref<96x144xf32, #tpu.memory_space<vmem>>, vector<1x16xf32>,
          %get3A_204 = arith.index_cast %scan3A_101 : i32 to index
          %get3A_205 = arith.constant 112 : index
          %get3A_206 = tpu.vector_load %arg10[%get3A_204, %get3A_205] {strides = array<i32>} : memref<96x144xf32, #tpu.memory_space<vmem>>, vector<1x16xf32>,
          %get3A_207 = vector.shape_cast %get3A_206 : vector<1x16xf32> to vector<16xf32>
          %slice3A_208 = vector.extract_strided_slice %exp3A {offsets = [7], sizes = [1], strides = [1]} : vector<16xf32> to vector<1xf32>
          %squeeze3A_209 = vector.extract %slice3A_208[0] : f32 from vector<1xf32>
          %mul3A_210 = vector.broadcast %squeeze3A_209 : f32 to vector<16xf32>
          %mul3A_211 = arith.mulf %get3A_207, %mul3A_210 : vector<16xf32>
          %swap3A_212 = arith.index_cast %scan3A_101 : i32 to index
          %swap3A_213 = arith.constant 112 : index
          %swap3A_214 = tpu.vector_load %arg10[%swap3A_212, %swap3A_213] {strides = array<i32>} : memref<96x144xf32, #tpu.memory_space<vmem>>, vector<1x16xf32>,
          %swap3A_215 = vector.shape_cast %swap3A_214 : vector<1x16xf32> to vector<16xf32>
          %swap3A_216 = vector.shape_cast %mul3A_211 : vector<16xf32> to vector<1x16xf32>
          tpu.vector_store %arg10[%swap3A_212, %swap3A_213], %swap3A_216 {strides = array<i32>} : memref<96x144xf32, #tpu.memory_space<vmem>>, vector<1x16xf32>,
          %lt3A_217 = arith.constant 8 : i32
          %lt3A_218 = vector.broadcast %lt3A_217 : i32 to vector<16xi32>
          %lt3A_219 = arith.cmpi slt, %iota3A, %lt3A_218 : vector<16xi32>
          %jit3A = arith.constant 0.000000e+00 : f32
          %broadcast_in_dim3A = vector.broadcast %jit3A : f32 to vector<16xf32>
          %select_n3A_220 = arith.select %lt3A_219, %exp3A, %broadcast_in_dim3A : vector<16xi1>, vector<16xf32>
          %swap3A_221 = arith.index_cast %scan3A_101 : i32 to index
          %swap3A_222 = arith.constant 128 : index
          %swap3A_223 = tpu.vector_load %arg10[%swap3A_221, %swap3A_222] {strides = array<i32>} : memref<96x144xf32, #tpu.memory_space<vmem>>, vector<1x16xf32>,
          %swap3A_224 = vector.shape_cast %swap3A_223 : vector<1x16xf32> to vector<16xf32>
          %swap3A_225 = vector.shape_cast %select_n3A_220 : vector<16xf32> to vector<1x16xf32>
          tpu.vector_store %arg10[%swap3A_221, %swap3A_222], %swap3A_225 {strides = array<i32>} : memref<96x144xf32, #tpu.memory_space<vmem>>, vector<1x16xf32>,
          %scan3A_226 = arith.constant 0 : i32
          scf.yield %scan3A_226 : i32
        }
        %scan3A_74 = arith.constant 96 : i32
        "tpu.region"() ({
          %run_scoped3A = tpu.sem_alloc : memref<!tpu.dma_semaphore, #tpu.memory_space<semaphore_mem>>
          %dma_start3A_101 = arith.constant 0 : i32
          %dma_start3A_102 = tpu.memref_slice %arg9[%mul3A_40, %dma_start3A_101] : memref<36x96xi32, #tpu.memory_space<vmem>> -> memref<1x96xi32, #tpu.memory_space<vmem>>
          %dma_start3A_103 = tpu.memref_squeeze %dma_start3A_102 : memref<1x96xi32, #tpu.memory_space<vmem>> -> memref<96xi32, #tpu.memory_space<vmem>>
          %dma_start3A_104 = arith.constant 0 : i32
          %dma_start3A_105 = arith.constant 0 : i32
          %dma_start3A_106 = tpu.memref_slice %arg14[%dma_start3A_104, %dma_start3A_105] : memref<10240x144xf32, #tpu.memory_space<vmem_shared>> -> memref<10240x144xf32, #tpu.memory_space<vmem_shared>>
          tpu.enqueue_indirect_dma source(%arg10 : memref<96x144xf32, #tpu.memory_space<vmem>>) target(%dma_start3A_106 : memref<10240x144xf32, #tpu.memory_space<vmem_shared>>) offsets(%dma_start3A_103 : memref<96xi32, #tpu.memory_space<vmem>>) semaphore(%run_scoped3A : memref<!tpu.dma_semaphore, #tpu.memory_space<semaphore_mem>>) {add = true}
          %dma_wait3A_107 = arith.constant 0 : i32
          %dma_wait3A_108 = tpu.memref_slice %arg9[%mul3A_40, %dma_wait3A_107] : memref<36x96xi32, #tpu.memory_space<vmem>> -> memref<1x96xi32, #tpu.memory_space<vmem>>
          %dma_wait3A_109 = tpu.memref_squeeze %dma_wait3A_108 : memref<1x96xi32, #tpu.memory_space<vmem>> -> memref<96xi32, #tpu.memory_space<vmem>>
          %dma_wait3A_110 = arith.constant 0 : i32
          %dma_wait3A_111 = arith.constant 0 : i32
          %dma_wait3A_112 = tpu.memref_slice %arg14[%dma_wait3A_110, %dma_wait3A_111] : memref<10240x144xf32, #tpu.memory_space<vmem_shared>> -> memref<10240x144xf32, #tpu.memory_space<vmem_shared>>
          tpu.wait_indirect_dma semaphore(%run_scoped3A : memref<!tpu.dma_semaphore, #tpu.memory_space<semaphore_mem>>) src(%arg10 : memref<96x144xf32, #tpu.memory_space<vmem>>) dst(%dma_wait3A_112 : memref<10240x144xf32, #tpu.memory_space<vmem_shared>>)
          tpu.yield
        }) : () -> ()
        %lt3A = arith.constant 17 : i32
        %lt3A_75 = arith.cmpi slt, %scan3A_37, %lt3A : i32
        %convert_element_type3A = arith.extui %lt3A_75 : i1 to i32
        %cond3A = arith.constant 0 : i32
        %cond3A_76 = arith.cmpi ne, %convert_element_type3A, %cond3A : i32
        scf.if %cond3A_76 {
          %add3A_101 = arith.constant 2 : i32
          %add3A_102 = arith.addi %mul3A_40, %add3A_101 : i32
          %dma_start3A_103 = arith.constant 0 : i32
          %dma_start3A_104 = tpu.memref_slice %arg8[%add3A_102, %dma_start3A_103] : memref<36x96xi32, #tpu.memory_space<vmem>> -> memref<1x96xi32, #tpu.memory_space<vmem>>
          %dma_start3A_105 = tpu.memref_squeeze %dma_start3A_104 : memref<1x96xi32, #tpu.memory_space<vmem>> -> memref<96xi32, #tpu.memory_space<vmem>>
          %dma_start3A_106 = arith.constant 0 : i32
          %dma_start3A_107 = arith.constant 0 : i32
          %dma_start3A_108 = tpu.memref_slice %arg2[%dma_start3A_106, %dma_start3A_107] : memref<10240x144xf32, #tpu.memory_space<hbm>> -> memref<10240x144xf32, #tpu.memory_space<hbm>>
          tpu.enqueue_indirect_dma source(%dma_start3A_108 : memref<10240x144xf32, #tpu.memory_space<hbm>>) target(%arg10 : memref<96x144xf32, #tpu.memory_space<vmem>>) offsets(%dma_start3A_105 : memref<96xi32, #tpu.memory_space<vmem>>) semaphore(%arg15 : memref<!tpu.dma_semaphore, #tpu.memory_space<semaphore_mem>>)
          %dma_start3A_109 = arith.constant 0 : i32
          %dma_start3A_110 = tpu.memref_slice %arg9[%add3A_102, %dma_start3A_109] : memref<36x96xi32, #tpu.memory_space<vmem>> -> memref<1x96xi32, #tpu.memory_space<vmem>>
          %dma_start3A_111 = tpu.memref_squeeze %dma_start3A_110 : memref<1x96xi32, #tpu.memory_space<vmem>> -> memref<96xi32, #tpu.memory_space<vmem>>
          %dma_start3A_112 = arith.constant 0 : i32
          %dma_start3A_113 = arith.constant 0 : i32
          %dma_start3A_114 = tpu.memref_slice %arg3[%dma_start3A_112, %dma_start3A_113] : memref<10240x16xf32, #tpu.memory_space<hbm>> -> memref<10240x16xf32, #tpu.memory_space<hbm>>
          tpu.enqueue_indirect_dma source(%dma_start3A_114 : memref<10240x16xf32, #tpu.memory_space<hbm>>) target(%arg12 : memref<96x16xf32, #tpu.memory_space<vmem>>) offsets(%dma_start3A_111 : memref<96xi32, #tpu.memory_space<vmem>>) semaphore(%arg15 : memref<!tpu.dma_semaphore, #tpu.memory_space<semaphore_mem>>)
        } else {
        }
        %add3A_77 = arith.constant 1 : i32
        %add3A_78 = arith.addi %mul3A_40, %add3A_77 : i32
        %dma_wait3A_79 = arith.constant 0 : i32
        %dma_wait3A_80 = arith.constant 0 : i32
        %dma_wait3A_81 = tpu.memref_slice %arg8[%dma_wait3A_79, %dma_wait3A_80] : memref<36x96xi32, #tpu.memory_space<vmem>> -> memref<1x96xi32, #tpu.memory_space<vmem>>
        %dma_wait3A_82 = tpu.memref_squeeze %dma_wait3A_81 : memref<1x96xi32, #tpu.memory_space<vmem>> -> memref<96xi32, #tpu.memory_space<vmem>>
        %dma_wait3A_83 = arith.constant 0 : i32
        %dma_wait3A_84 = arith.constant 0 : i32
        %dma_wait3A_85 = tpu.memref_slice %arg2[%dma_wait3A_83, %dma_wait3A_84] : memref<10240x144xf32, #tpu.memory_space<hbm>> -> memref<10240x144xf32, #tpu.memory_space<hbm>>
        tpu.wait_indirect_dma semaphore(%arg16 : memref<!tpu.dma_semaphore, #tpu.memory_space<semaphore_mem>>) src(%dma_wait3A_85 : memref<10240x144xf32, #tpu.memory_space<hbm>>) dst(%arg11 : memref<96x144xf32, #tpu.memory_space<vmem>>)
        %dma_wait3A_86 = arith.constant 0 : i32
        %dma_wait3A_87 = arith.constant 0 : i32
        %dma_wait3A_88 = tpu.memref_slice %arg9[%dma_wait3A_86, %dma_wait3A_87] : memref<36x96xi32, #tpu.memory_space<vmem>> -> memref<1x96xi32, #tpu.memory_space<vmem>>
        %dma_wait3A_89 = tpu.memref_squeeze %dma_wait3A_88 : memref<1x96xi32, #tpu.memory_space<vmem>> -> memref<96xi32, #tpu.memory_space<vmem>>
        %dma_wait3A_90 = arith.constant 0 : i32
        %dma_wait3A_91 = arith.constant 0 : i32
        %dma_wait3A_92 = tpu.memref_slice %arg3[%dma_wait3A_90, %dma_wait3A_91] : memref<10240x16xf32, #tpu.memory_space<hbm>> -> memref<10240x16xf32, #tpu.memory_space<hbm>>
        tpu.wait_indirect_dma semaphore(%arg16 : memref<!tpu.dma_semaphore, #tpu.memory_space<semaphore_mem>>) src(%dma_wait3A_92 : memref<10240x16xf32, #tpu.memory_space<hbm>>) dst(%arg13 : memref<96x16xf32, #tpu.memory_space<vmem>>)
        %scan3A_93 = arith.constant 0 : i32
        %scan3A_94 = arith.constant 0 : i32
        %scan3A_95 = arith.constant 96 : i32
        %scan3A_96 = arith.addi %scan3A_94, %scan3A_95 : i32
        %scan3A_97 = arith.constant 1 : i32
        %scan3A_98 = scf.for %scan3A_101 = %scan3A_94 to %scan3A_96 step %scan3A_97 iter_args(%scan3A_102 = %scan3A_93) -> (i32)  : i32 {
          %get3A = arith.index_cast %scan3A_101 : i32 to index
          %get3A_103 = arith.constant 128 : index
          %get3A_104 = tpu.vector_load %arg11[%get3A, %get3A_103] {strides = array<i32>} : memref<96x144xf32, #tpu.memory_space<vmem>>, vector<1x16xf32>,
          %get3A_105 = vector.shape_cast %get3A_104 : vector<1x16xf32> to vector<16xf32>
          %get3A_106 = arith.index_cast %scan3A_101 : i32 to index
          %get3A_107 = arith.constant 0 : index
          %get3A_108 = tpu.vector_load %arg13[%get3A_106, %get3A_107] {strides = array<i32>} : memref<96x16xf32, #tpu.memory_space<vmem>>, vector<1x16xf32>,
          %get3A_109 = vector.shape_cast %get3A_108 : vector<1x16xf32> to vector<16xf32>
          %add3A_110 = arith.addf %get3A_105, %get3A_109 : vector<16xf32>
          %ge3A = arith.constant 0.000000e+00 : f32
          %ge3A_111 = vector.broadcast %ge3A : f32 to vector<16xf32>
          %ge3A_112 = arith.cmpf oge, %add3A_110, %ge3A_111 : vector<16xf32>
          %mul3A_113 = arith.constant 2.000000e-01 : f32
          %mul3A_114 = vector.broadcast %mul3A_113 : f32 to vector<16xf32>
          %mul3A_115 = arith.mulf %add3A_110, %mul3A_114 : vector<16xf32>
          %select_n3A = arith.select %ge3A_112, %add3A_110, %mul3A_115 : vector<16xi1>, vector<16xf32>
          %exp3A = math.exp %select_n3A : vector<16xf32>
          %get3A_116 = arith.index_cast %scan3A_101 : i32 to index
          %get3A_117 = arith.constant 0 : index
          %get3A_118 = tpu.vector_load %arg11[%get3A_116, %get3A_117] {strides = array<i32>} : memref<96x144xf32, #tpu.memory_space<vmem>>, vector<1x16xf32>,
          %get3A_119 = vector.shape_cast %get3A_118 : vector<1x16xf32> to vector<16xf32>
          %slice3A = vector.extract_strided_slice %exp3A {offsets = [0], sizes = [1], strides = [1]} : vector<16xf32> to vector<1xf32>
          %squeeze3A = vector.extract %slice3A[0] : f32 from vector<1xf32>
          %mul3A_120 = vector.broadcast %squeeze3A : f32 to vector<16xf32>
          %mul3A_121 = arith.mulf %get3A_119, %mul3A_120 : vector<16xf32>
          %swap3A = arith.index_cast %scan3A_101 : i32 to index
          %swap3A_122 = arith.constant 0 : index
          %swap3A_123 = tpu.vector_load %arg11[%swap3A, %swap3A_122] {strides = array<i32>} : memref<96x144xf32, #tpu.memory_space<vmem>>, vector<1x16xf32>,
          %swap3A_124 = vector.shape_cast %swap3A_123 : vector<1x16xf32> to vector<16xf32>
          %swap3A_125 = vector.shape_cast %mul3A_121 : vector<16xf32> to vector<1x16xf32>
          tpu.vector_store %arg11[%swap3A, %swap3A_122], %swap3A_125 {strides = array<i32>} : memref<96x144xf32, #tpu.memory_space<vmem>>, vector<1x16xf32>,
          %get3A_126 = arith.index_cast %scan3A_101 : i32 to index
          %get3A_127 = arith.constant 16 : index
          %get3A_128 = tpu.vector_load %arg11[%get3A_126, %get3A_127] {strides = array<i32>} : memref<96x144xf32, #tpu.memory_space<vmem>>, vector<1x16xf32>,
          %get3A_129 = vector.shape_cast %get3A_128 : vector<1x16xf32> to vector<16xf32>
          %slice3A_130 = vector.extract_strided_slice %exp3A {offsets = [1], sizes = [1], strides = [1]} : vector<16xf32> to vector<1xf32>
          %squeeze3A_131 = vector.extract %slice3A_130[0] : f32 from vector<1xf32>
          %mul3A_132 = vector.broadcast %squeeze3A_131 : f32 to vector<16xf32>
          %mul3A_133 = arith.mulf %get3A_129, %mul3A_132 : vector<16xf32>
          %swap3A_134 = arith.index_cast %scan3A_101 : i32 to index
          %swap3A_135 = arith.constant 16 : index
          %swap3A_136 = tpu.vector_load %arg11[%swap3A_134, %swap3A_135] {strides = array<i32>} : memref<96x144xf32, #tpu.memory_space<vmem>>, vector<1x16xf32>,
          %swap3A_137 = vector.shape_cast %swap3A_136 : vector<1x16xf32> to vector<16xf32>
          %swap3A_138 = vector.shape_cast %mul3A_133 : vector<16xf32> to vector<1x16xf32>
          tpu.vector_store %arg11[%swap3A_134, %swap3A_135], %swap3A_138 {strides = array<i32>} : memref<96x144xf32, #tpu.memory_space<vmem>>, vector<1x16xf32>,
          %get3A_139 = arith.index_cast %scan3A_101 : i32 to index
          %get3A_140 = arith.constant 32 : index
          %get3A_141 = tpu.vector_load %arg11[%get3A_139, %get3A_140] {strides = array<i32>} : memref<96x144xf32, #tpu.memory_space<vmem>>, vector<1x16xf32>,
          %get3A_142 = vector.shape_cast %get3A_141 : vector<1x16xf32> to vector<16xf32>
          %slice3A_143 = vector.extract_strided_slice %exp3A {offsets = [2], sizes = [1], strides = [1]} : vector<16xf32> to vector<1xf32>
          %squeeze3A_144 = vector.extract %slice3A_143[0] : f32 from vector<1xf32>
          %mul3A_145 = vector.broadcast %squeeze3A_144 : f32 to vector<16xf32>
          %mul3A_146 = arith.mulf %get3A_142, %mul3A_145 : vector<16xf32>
          %swap3A_147 = arith.index_cast %scan3A_101 : i32 to index
          %swap3A_148 = arith.constant 32 : index
          %swap3A_149 = tpu.vector_load %arg11[%swap3A_147, %swap3A_148] {strides = array<i32>} : memref<96x144xf32, #tpu.memory_space<vmem>>, vector<1x16xf32>,
          %swap3A_150 = vector.shape_cast %swap3A_149 : vector<1x16xf32> to vector<16xf32>
          %swap3A_151 = vector.shape_cast %mul3A_146 : vector<16xf32> to vector<1x16xf32>
          tpu.vector_store %arg11[%swap3A_147, %swap3A_148], %swap3A_151 {strides = array<i32>} : memref<96x144xf32, #tpu.memory_space<vmem>>, vector<1x16xf32>,
          %get3A_152 = arith.index_cast %scan3A_101 : i32 to index
          %get3A_153 = arith.constant 48 : index
          %get3A_154 = tpu.vector_load %arg11[%get3A_152, %get3A_153] {strides = array<i32>} : memref<96x144xf32, #tpu.memory_space<vmem>>, vector<1x16xf32>,
          %get3A_155 = vector.shape_cast %get3A_154 : vector<1x16xf32> to vector<16xf32>
          %slice3A_156 = vector.extract_strided_slice %exp3A {offsets = [3], sizes = [1], strides = [1]} : vector<16xf32> to vector<1xf32>
          %squeeze3A_157 = vector.extract %slice3A_156[0] : f32 from vector<1xf32>
          %mul3A_158 = vector.broadcast %squeeze3A_157 : f32 to vector<16xf32>
          %mul3A_159 = arith.mulf %get3A_155, %mul3A_158 : vector<16xf32>
          %swap3A_160 = arith.index_cast %scan3A_101 : i32 to index
          %swap3A_161 = arith.constant 48 : index
          %swap3A_162 = tpu.vector_load %arg11[%swap3A_160, %swap3A_161] {strides = array<i32>} : memref<96x144xf32, #tpu.memory_space<vmem>>, vector<1x16xf32>,
          %swap3A_163 = vector.shape_cast %swap3A_162 : vector<1x16xf32> to vector<16xf32>
          %swap3A_164 = vector.shape_cast %mul3A_159 : vector<16xf32> to vector<1x16xf32>
          tpu.vector_store %arg11[%swap3A_160, %swap3A_161], %swap3A_164 {strides = array<i32>} : memref<96x144xf32, #tpu.memory_space<vmem>>, vector<1x16xf32>,
          %get3A_165 = arith.index_cast %scan3A_101 : i32 to index
          %get3A_166 = arith.constant 64 : index
          %get3A_167 = tpu.vector_load %arg11[%get3A_165, %get3A_166] {strides = array<i32>} : memref<96x144xf32, #tpu.memory_space<vmem>>, vector<1x16xf32>,
          %get3A_168 = vector.shape_cast %get3A_167 : vector<1x16xf32> to vector<16xf32>
          %slice3A_169 = vector.extract_strided_slice %exp3A {offsets = [4], sizes = [1], strides = [1]} : vector<16xf32> to vector<1xf32>
          %squeeze3A_170 = vector.extract %slice3A_169[0] : f32 from vector<1xf32>
          %mul3A_171 = vector.broadcast %squeeze3A_170 : f32 to vector<16xf32>
          %mul3A_172 = arith.mulf %get3A_168, %mul3A_171 : vector<16xf32>
          %swap3A_173 = arith.index_cast %scan3A_101 : i32 to index
          %swap3A_174 = arith.constant 64 : index
          %swap3A_175 = tpu.vector_load %arg11[%swap3A_173, %swap3A_174] {strides = array<i32>} : memref<96x144xf32, #tpu.memory_space<vmem>>, vector<1x16xf32>,
          %swap3A_176 = vector.shape_cast %swap3A_175 : vector<1x16xf32> to vector<16xf32>
          %swap3A_177 = vector.shape_cast %mul3A_172 : vector<16xf32> to vector<1x16xf32>
          tpu.vector_store %arg11[%swap3A_173, %swap3A_174], %swap3A_177 {strides = array<i32>} : memref<96x144xf32, #tpu.memory_space<vmem>>, vector<1x16xf32>,
          %get3A_178 = arith.index_cast %scan3A_101 : i32 to index
          %get3A_179 = arith.constant 80 : index
          %get3A_180 = tpu.vector_load %arg11[%get3A_178, %get3A_179] {strides = array<i32>} : memref<96x144xf32, #tpu.memory_space<vmem>>, vector<1x16xf32>,
          %get3A_181 = vector.shape_cast %get3A_180 : vector<1x16xf32> to vector<16xf32>
          %slice3A_182 = vector.extract_strided_slice %exp3A {offsets = [5], sizes = [1], strides = [1]} : vector<16xf32> to vector<1xf32>
          %squeeze3A_183 = vector.extract %slice3A_182[0] : f32 from vector<1xf32>
          %mul3A_184 = vector.broadcast %squeeze3A_183 : f32 to vector<16xf32>
          %mul3A_185 = arith.mulf %get3A_181, %mul3A_184 : vector<16xf32>
          %swap3A_186 = arith.index_cast %scan3A_101 : i32 to index
          %swap3A_187 = arith.constant 80 : index
          %swap3A_188 = tpu.vector_load %arg11[%swap3A_186, %swap3A_187] {strides = array<i32>} : memref<96x144xf32, #tpu.memory_space<vmem>>, vector<1x16xf32>,
          %swap3A_189 = vector.shape_cast %swap3A_188 : vector<1x16xf32> to vector<16xf32>
          %swap3A_190 = vector.shape_cast %mul3A_185 : vector<16xf32> to vector<1x16xf32>
          tpu.vector_store %arg11[%swap3A_186, %swap3A_187], %swap3A_190 {strides = array<i32>} : memref<96x144xf32, #tpu.memory_space<vmem>>, vector<1x16xf32>,
          %get3A_191 = arith.index_cast %scan3A_101 : i32 to index
          %get3A_192 = arith.constant 96 : index
          %get3A_193 = tpu.vector_load %arg11[%get3A_191, %get3A_192] {strides = array<i32>} : memref<96x144xf32, #tpu.memory_space<vmem>>, vector<1x16xf32>,
          %get3A_194 = vector.shape_cast %get3A_193 : vector<1x16xf32> to vector<16xf32>
          %slice3A_195 = vector.extract_strided_slice %exp3A {offsets = [6], sizes = [1], strides = [1]} : vector<16xf32> to vector<1xf32>
          %squeeze3A_196 = vector.extract %slice3A_195[0] : f32 from vector<1xf32>
          %mul3A_197 = vector.broadcast %squeeze3A_196 : f32 to vector<16xf32>
          %mul3A_198 = arith.mulf %get3A_194, %mul3A_197 : vector<16xf32>
          %swap3A_199 = arith.index_cast %scan3A_101 : i32 to index
          %swap3A_200 = arith.constant 96 : index
          %swap3A_201 = tpu.vector_load %arg11[%swap3A_199, %swap3A_200] {strides = array<i32>} : memref<96x144xf32, #tpu.memory_space<vmem>>, vector<1x16xf32>,
          %swap3A_202 = vector.shape_cast %swap3A_201 : vector<1x16xf32> to vector<16xf32>
          %swap3A_203 = vector.shape_cast %mul3A_198 : vector<16xf32> to vector<1x16xf32>
          tpu.vector_store %arg11[%swap3A_199, %swap3A_200], %swap3A_203 {strides = array<i32>} : memref<96x144xf32, #tpu.memory_space<vmem>>, vector<1x16xf32>,
          %get3A_204 = arith.index_cast %scan3A_101 : i32 to index
          %get3A_205 = arith.constant 112 : index
          %get3A_206 = tpu.vector_load %arg11[%get3A_204, %get3A_205] {strides = array<i32>} : memref<96x144xf32, #tpu.memory_space<vmem>>, vector<1x16xf32>,
          %get3A_207 = vector.shape_cast %get3A_206 : vector<1x16xf32> to vector<16xf32>
          %slice3A_208 = vector.extract_strided_slice %exp3A {offsets = [7], sizes = [1], strides = [1]} : vector<16xf32> to vector<1xf32>
          %squeeze3A_209 = vector.extract %slice3A_208[0] : f32 from vector<1xf32>
          %mul3A_210 = vector.broadcast %squeeze3A_209 : f32 to vector<16xf32>
          %mul3A_211 = arith.mulf %get3A_207, %mul3A_210 : vector<16xf32>
          %swap3A_212 = arith.index_cast %scan3A_101 : i32 to index
          %swap3A_213 = arith.constant 112 : index
          %swap3A_214 = tpu.vector_load %arg11[%swap3A_212, %swap3A_213] {strides = array<i32>} : memref<96x144xf32, #tpu.memory_space<vmem>>, vector<1x16xf32>,
          %swap3A_215 = vector.shape_cast %swap3A_214 : vector<1x16xf32> to vector<16xf32>
          %swap3A_216 = vector.shape_cast %mul3A_211 : vector<16xf32> to vector<1x16xf32>
          tpu.vector_store %arg11[%swap3A_212, %swap3A_213], %swap3A_216 {strides = array<i32>} : memref<96x144xf32, #tpu.memory_space<vmem>>, vector<1x16xf32>,
          %lt3A_217 = arith.constant 8 : i32
          %lt3A_218 = vector.broadcast %lt3A_217 : i32 to vector<16xi32>
          %lt3A_219 = arith.cmpi slt, %iota3A, %lt3A_218 : vector<16xi32>
          %jit3A = arith.constant 0.000000e+00 : f32
          %broadcast_in_dim3A = vector.broadcast %jit3A : f32 to vector<16xf32>
          %select_n3A_220 = arith.select %lt3A_219, %exp3A, %broadcast_in_dim3A : vector<16xi1>, vector<16xf32>
          %swap3A_221 = arith.index_cast %scan3A_101 : i32 to index
          %swap3A_222 = arith.constant 128 : index
          %swap3A_223 = tpu.vector_load %arg11[%swap3A_221, %swap3A_222] {strides = array<i32>} : memref<96x144xf32, #tpu.memory_space<vmem>>, vector<1x16xf32>,
          %swap3A_224 = vector.shape_cast %swap3A_223 : vector<1x16xf32> to vector<16xf32>
          %swap3A_225 = vector.shape_cast %select_n3A_220 : vector<16xf32> to vector<1x16xf32>
          tpu.vector_store %arg11[%swap3A_221, %swap3A_222], %swap3A_225 {strides = array<i32>} : memref<96x144xf32, #tpu.memory_space<vmem>>, vector<1x16xf32>,
          %scan3A_226 = arith.constant 0 : i32
          scf.yield %scan3A_226 : i32
        }
        %scan3A_99 = arith.constant 96 : i32
        "tpu.region"() ({
          %run_scoped3A = tpu.sem_alloc : memref<!tpu.dma_semaphore, #tpu.memory_space<semaphore_mem>>
          %dma_start3A_101 = arith.constant 0 : i32
          %dma_start3A_102 = tpu.memref_slice %arg9[%add3A_78, %dma_start3A_101] : memref<36x96xi32, #tpu.memory_space<vmem>> -> memref<1x96xi32, #tpu.memory_space<vmem>>
          %dma_start3A_103 = tpu.memref_squeeze %dma_start3A_102 : memref<1x96xi32, #tpu.memory_space<vmem>> -> memref<96xi32, #tpu.memory_space<vmem>>
          %dma_start3A_104 = arith.constant 0 : i32
          %dma_start3A_105 = arith.constant 0 : i32
          %dma_start3A_106 = tpu.memref_slice %arg14[%dma_start3A_104, %dma_start3A_105] : memref<10240x144xf32, #tpu.memory_space<vmem_shared>> -> memref<10240x144xf32, #tpu.memory_space<vmem_shared>>
          tpu.enqueue_indirect_dma source(%arg11 : memref<96x144xf32, #tpu.memory_space<vmem>>) target(%dma_start3A_106 : memref<10240x144xf32, #tpu.memory_space<vmem_shared>>) offsets(%dma_start3A_103 : memref<96xi32, #tpu.memory_space<vmem>>) semaphore(%run_scoped3A : memref<!tpu.dma_semaphore, #tpu.memory_space<semaphore_mem>>) {add = true}
          %dma_wait3A_107 = arith.constant 0 : i32
          %dma_wait3A_108 = tpu.memref_slice %arg9[%add3A_78, %dma_wait3A_107] : memref<36x96xi32, #tpu.memory_space<vmem>> -> memref<1x96xi32, #tpu.memory_space<vmem>>
          %dma_wait3A_109 = tpu.memref_squeeze %dma_wait3A_108 : memref<1x96xi32, #tpu.memory_space<vmem>> -> memref<96xi32, #tpu.memory_space<vmem>>
          %dma_wait3A_110 = arith.constant 0 : i32
          %dma_wait3A_111 = arith.constant 0 : i32
          %dma_wait3A_112 = tpu.memref_slice %arg14[%dma_wait3A_110, %dma_wait3A_111] : memref<10240x144xf32, #tpu.memory_space<vmem_shared>> -> memref<10240x144xf32, #tpu.memory_space<vmem_shared>>
          tpu.wait_indirect_dma semaphore(%run_scoped3A : memref<!tpu.dma_semaphore, #tpu.memory_space<semaphore_mem>>) src(%arg11 : memref<96x144xf32, #tpu.memory_space<vmem>>) dst(%dma_wait3A_112 : memref<10240x144xf32, #tpu.memory_space<vmem_shared>>)
          tpu.yield
        }) : () -> ()
        %scan3A_100 = arith.constant 0 : i32
        scf.yield %scan3A_100 : i32
      }
      %scan3A_35 = arith.constant 18 : i32
      %scan3A_36 = arith.constant 0 : i32
      scf.yield %scan3A_36 : i32
    }
    %scan3A_8 = arith.constant 3 : i32
    %barrier3A_9 = arith.constant 0 : index
    tpu.barrier barrier_id(%barrier3A_9)
    "tpu.region"() ({
      %run_scoped3A = tpu.sem_alloc : memref<!tpu.dma_semaphore, #tpu.memory_space<semaphore_mem>>
      %dma_start3A = arith.constant 0 : i32
      %dma_start3A_10 = tpu.memref_slice %arg7[%arg0, %mul3A_2, %dma_start3A] : memref<2x10240x144xf32, #tpu.memory_space<hbm>> -> memref<1x640x144xf32, #tpu.memory_space<hbm>>
      %dma_start3A_11 = tpu.memref_squeeze %dma_start3A_10 : memref<1x640x144xf32, #tpu.memory_space<hbm>> -> memref<640x144xf32, #tpu.memory_space<hbm>>
      %dma_start3A_12 = arith.constant 0 : i32
      %dma_start3A_13 = tpu.memref_slice %arg14[%mul3A_2, %dma_start3A_12] : memref<10240x144xf32, #tpu.memory_space<vmem_shared>> -> memref<640x144xf32, #tpu.memory_space<vmem_shared>>
      tpu.enqueue_dma source(%dma_start3A_13 : memref<640x144xf32, #tpu.memory_space<vmem_shared>>) target(%dma_start3A_11 : memref<640x144xf32, #tpu.memory_space<hbm>>) target_semaphore(%run_scoped3A : memref<!tpu.dma_semaphore, #tpu.memory_space<semaphore_mem>>)
      %dma_wait3A = arith.constant 0 : i32
      %dma_wait3A_14 = tpu.memref_slice %arg7[%arg0, %mul3A_2, %dma_wait3A] : memref<2x10240x144xf32, #tpu.memory_space<hbm>> -> memref<1x640x144xf32, #tpu.memory_space<hbm>>
      %dma_wait3A_15 = tpu.memref_squeeze %dma_wait3A_14 : memref<1x640x144xf32, #tpu.memory_space<hbm>> -> memref<640x144xf32, #tpu.memory_space<hbm>>
      %dma_wait3A_16 = arith.constant 0 : i32
      %dma_wait3A_17 = tpu.memref_slice %arg14[%mul3A_2, %dma_wait3A_16] : memref<10240x144xf32, #tpu.memory_space<vmem_shared>> -> memref<640x144xf32, #tpu.memory_space<vmem_shared>>
      tpu.wait_dma2 semaphore(%run_scoped3A : memref<!tpu.dma_semaphore, #tpu.memory_space<semaphore_mem>>) src(%dma_wait3A_17 : memref<640x144xf32, #tpu.memory_space<vmem_shared>>) dst(%dma_wait3A_15 : memref<640x144xf32, #tpu.memory_space<hbm>>)
      tpu.yield
    }) : () -> ()
    return
  }
}

module attributes {stable_mosaic.version = 14 : i64} {
  func.func @_proj_body(%arg0: i32, %arg1: memref<1024x128xf32, #tpu.memory_space<vmem>>, %arg2: memref<128x144xf32, #tpu.memory_space<vmem>>, %arg3: memref<128x16xf32, #tpu.memory_space<vmem>>, %arg4: memref<1024x144xf32, #tpu.memory_space<vmem>>, %arg5: memref<1024x16xf32, #tpu.memory_space<vmem>>) attributes {dimension_semantics = [#tpu.dimension_semantics<arbitrary>], iteration_bounds = array<i64: 10>, scalar_prefetch = 0 : i64, scratch_operands = 0 : i64, tpu.core_type = #tpu.core_type<tc>, window_params = [{transform_indices = @transform_0, window_bounds = array<i64: 1024, 128>}, {pipeline_mode = #tpu.pipeline_mode<synchronous>, transform_indices = @transform_1, window_bounds = array<i64: 128, 144>}, {pipeline_mode = #tpu.pipeline_mode<synchronous>, transform_indices = @transform_2, window_bounds = array<i64: 128, 16>}, {transform_indices = @transform_3, window_bounds = array<i64: 1024, 144>}, {transform_indices = @transform_4, window_bounds = array<i64: 1024, 16>}]} {
    %get3A = arith.constant 0 : index
    %get3A_0 = arith.constant 0 : index
    %get3A_1 = vector.load %arg1[%get3A, %get3A_0] : memref<1024x128xf32, #tpu.memory_space<vmem>>, vector<1024x128xf32>
    %get3A_2 = arith.constant 0 : index
    %get3A_3 = arith.constant 0 : index
    %get3A_4 = vector.load %arg2[%get3A_2, %get3A_3] : memref<128x144xf32, #tpu.memory_space<vmem>>, vector<128x144xf32>
    %dot_general3A = arith.constant dense<0.000000e+00> : vector<1024x144xf32>
    %dot_general3A_5 = tpu.matmul %get3A_1, %get3A_4, %dot_general3A {dimension_numbers = #tpu.dot_dimension_numbers<[1], [0], [0], [1], [0, 0, 1, 1], [], []>, transpose_lhs_hint = false} : vector<1024x128xf32>, vector<128x144xf32>, vector<1024x144xf32> -> vector<1024x144xf32>
    %swap3A = arith.constant 0 : index
    %swap3A_6 = arith.constant 0 : index
    %swap3A_7 = vector.load %arg4[%swap3A, %swap3A_6] : memref<1024x144xf32, #tpu.memory_space<vmem>>, vector<1024x144xf32>
    tpu.vector_store %arg4[%swap3A, %swap3A_6], %dot_general3A_5 {strides = array<i32>} : memref<1024x144xf32, #tpu.memory_space<vmem>>, vector<1024x144xf32>,
    %get3A_8 = arith.constant 0 : index
    %get3A_9 = arith.constant 0 : index
    %get3A_10 = vector.load %arg3[%get3A_8, %get3A_9] : memref<128x16xf32, #tpu.memory_space<vmem>>, vector<128x16xf32>
    %dot_general3A_11 = arith.constant dense<0.000000e+00> : vector<1024x16xf32>
    %dot_general3A_12 = tpu.matmul %get3A_1, %get3A_10, %dot_general3A_11 {dimension_numbers = #tpu.dot_dimension_numbers<[1], [0], [0], [1], [0, 0, 1, 1], [], []>, transpose_lhs_hint = false} : vector<1024x128xf32>, vector<128x16xf32>, vector<1024x16xf32> -> vector<1024x16xf32>
    %swap3A_13 = arith.constant 0 : index
    %swap3A_14 = arith.constant 0 : index
    %swap3A_15 = vector.load %arg5[%swap3A_13, %swap3A_14] : memref<1024x16xf32, #tpu.memory_space<vmem>>, vector<1024x16xf32>
    tpu.vector_store %arg5[%swap3A_13, %swap3A_14], %dot_general3A_12 {strides = array<i32>} : memref<1024x16xf32, #tpu.memory_space<vmem>>, vector<1024x16xf32>,
    return
  }
  func.func @transform_0(%arg0: i32) -> (i32, i32) {
    %c0_i32 = arith.constant 0 : i32
    %c0_i32_0 = arith.constant 0 : i32
    return %arg0, %c0_i32 : i32, i32
  }
  func.func @transform_1(%arg0: i32) -> (i32, i32) {
    %c0_i32 = arith.constant 0 : i32
    %c0_i32_0 = arith.constant 0 : i32
    %c0_i32_1 = arith.constant 0 : i32
    return %c0_i32, %c0_i32_0 : i32, i32
  }
  func.func @transform_2(%arg0: i32) -> (i32, i32) {
    %c0_i32 = arith.constant 0 : i32
    %c0_i32_0 = arith.constant 0 : i32
    %c0_i32_1 = arith.constant 0 : i32
    return %c0_i32, %c0_i32_0 : i32, i32
  }
  func.func @transform_3(%arg0: i32) -> (i32, i32) {
    %c0_i32 = arith.constant 0 : i32
    %c0_i32_0 = arith.constant 0 : i32
    return %arg0, %c0_i32 : i32, i32
  }
  func.func @transform_4(%arg0: i32) -> (i32, i32) {
    %c0_i32 = arith.constant 0 : i32
    %c0_i32_0 = arith.constant 0 : i32
    return %arg0, %c0_i32 : i32, i32
  }
}

module attributes {stable_mosaic.version = 14 : i64} {
  func.func @_combine1_body(%arg0: i32, %arg1: memref<1024x144xf32, #tpu.memory_space<vmem>>, %arg2: memref<1024x144xf32, #tpu.memory_space<vmem>>, %arg3: memref<1x128xf32, #tpu.memory_space<vmem>>, %arg4: memref<8x128xf32, #tpu.memory_space<vmem>>, %arg5: memref<128x32xf32, #tpu.memory_space<vmem>>, %arg6: memref<128x16xf32, #tpu.memory_space<vmem>>, %arg7: memref<1024x32xf32, #tpu.memory_space<vmem>>, %arg8: memref<1024x16xf32, #tpu.memory_space<vmem>>) attributes {dimension_semantics = [#tpu.dimension_semantics<arbitrary>], iteration_bounds = array<i64: 10>, scalar_prefetch = 0 : i64, scratch_operands = 0 : i64, tpu.core_type = #tpu.core_type<tc>, window_params = [{transform_indices = @transform_0, window_bounds = array<i64: 1024, 144>}, {transform_indices = @transform_1, window_bounds = array<i64: 1024, 144>}, {pipeline_mode = #tpu.pipeline_mode<synchronous>, transform_indices = @transform_2, window_bounds = array<i64: 1, 128>}, {pipeline_mode = #tpu.pipeline_mode<synchronous>, transform_indices = @transform_3, window_bounds = array<i64: 8, 128>}, {pipeline_mode = #tpu.pipeline_mode<synchronous>, transform_indices = @transform_4, window_bounds = array<i64: 128, 32>}, {pipeline_mode = #tpu.pipeline_mode<synchronous>, transform_indices = @transform_5, window_bounds = array<i64: 128, 16>}, {transform_indices = @transform_6, window_bounds = array<i64: 1024, 32>}, {transform_indices = @transform_7, window_bounds = array<i64: 1024, 16>}]} {
    %get3A = arith.constant 0 : index
    %get3A_0 = arith.constant 0 : index
    %get3A_1 = vector.load %arg1[%get3A, %get3A_0] : memref<1024x144xf32, #tpu.memory_space<vmem>>, vector<1024x144xf32>
    %get3A_2 = arith.constant 0 : index
    %get3A_3 = arith.constant 0 : index
    %get3A_4 = vector.load %arg2[%get3A_2, %get3A_3] : memref<1024x144xf32, #tpu.memory_space<vmem>>, vector<1024x144xf32>
    %add3A = arith.addf %get3A_1, %get3A_4 : vector<1024x144xf32>
    %slice3A = vector.extract_strided_slice %add3A {offsets = [0, 0], sizes = [1024, 128], strides = [1, 1]} : vector<1024x144xf32> to vector<1024x128xf32>
    %slice3A_5 = vector.extract_strided_slice %add3A {offsets = [0, 128], sizes = [1024, 8], strides = [1, 1]} : vector<1024x144xf32> to vector<1024x8xf32>
    %add3A_6 = arith.constant 1.000000e-16 : f32
    %add3A_7 = vector.broadcast %add3A_6 : f32 to vector<1024x8xf32>
    %add3A_8 = arith.addf %slice3A_5, %add3A_7 : vector<1024x8xf32>
    %div3A = arith.constant 1.000000e+00 : f32
    %div3A_9 = vector.broadcast %div3A : f32 to vector<1024x8xf32>
    %div3A_10 = arith.divf %div3A_9, %add3A_8 : vector<1024x8xf32>
    %get3A_11 = arith.constant 0 : index
    %get3A_12 = arith.constant 0 : index
    %get3A_13 = vector.load %arg4[%get3A_11, %get3A_12] : memref<8x128xf32, #tpu.memory_space<vmem>>, vector<8x128xf32>
    %dot_general3A = arith.constant dense<0.000000e+00> : vector<1024x128xf32>
    %dot_general3A_14 = tpu.matmul %div3A_10, %get3A_13, %dot_general3A {dimension_numbers = #tpu.dot_dimension_numbers<[1], [0], [0], [1], [0, 0, 1, 1], [], []>, transpose_lhs_hint = false} : vector<1024x8xf32>, vector<8x128xf32>, vector<1024x128xf32> -> vector<1024x128xf32>
    %mul3A = arith.mulf %slice3A, %dot_general3A_14 : vector<1024x128xf32>
    %get3A_15 = arith.constant 0 : index
    %get3A_16 = arith.constant 0 : index
    %get3A_17 = vector.load %arg3[%get3A_15, %get3A_16] : memref<1x128xf32, #tpu.memory_space<vmem>>, vector<1x128xf32>
    %add3A_18 = vector.broadcast %get3A_17 : vector<1x128xf32> to vector<1024x128xf32>
    %add3A_19 = arith.addf %mul3A, %add3A_18 : vector<1024x128xf32>
    %max3A = arith.constant 0.000000e+00 : f32
    %max3A_20 = vector.broadcast %max3A : f32 to vector<1024x128xf32>
    %max3A_21 = arith.maximumf %add3A_19, %max3A_20 : vector<1024x128xf32>
    %get3A_22 = arith.constant 0 : index
    %get3A_23 = arith.constant 0 : index
    %get3A_24 = vector.load %arg5[%get3A_22, %get3A_23] : memref<128x32xf32, #tpu.memory_space<vmem>>, vector<128x32xf32>
    %dot_general3A_25 = arith.constant dense<0.000000e+00> : vector<1024x32xf32>
    %dot_general3A_26 = tpu.matmul %max3A_21, %get3A_24, %dot_general3A_25 {dimension_numbers = #tpu.dot_dimension_numbers<[1], [0], [0], [1], [0, 0, 1, 1], [], []>, transpose_lhs_hint = false} : vector<1024x128xf32>, vector<128x32xf32>, vector<1024x32xf32> -> vector<1024x32xf32>
    %swap3A = arith.constant 0 : index
    %swap3A_27 = arith.constant 0 : index
    %swap3A_28 = vector.load %arg7[%swap3A, %swap3A_27] : memref<1024x32xf32, #tpu.memory_space<vmem>>, vector<1024x32xf32>
    tpu.vector_store %arg7[%swap3A, %swap3A_27], %dot_general3A_26 {strides = array<i32>} : memref<1024x32xf32, #tpu.memory_space<vmem>>, vector<1024x32xf32>,
    %get3A_29 = arith.constant 0 : index
    %get3A_30 = arith.constant 0 : index
    %get3A_31 = vector.load %arg6[%get3A_29, %get3A_30] : memref<128x16xf32, #tpu.memory_space<vmem>>, vector<128x16xf32>
    %dot_general3A_32 = arith.constant dense<0.000000e+00> : vector<1024x16xf32>
    %dot_general3A_33 = tpu.matmul %max3A_21, %get3A_31, %dot_general3A_32 {dimension_numbers = #tpu.dot_dimension_numbers<[1], [0], [0], [1], [0, 0, 1, 1], [], []>, transpose_lhs_hint = false} : vector<1024x128xf32>, vector<128x16xf32>, vector<1024x16xf32> -> vector<1024x16xf32>
    %swap3A_34 = arith.constant 0 : index
    %swap3A_35 = arith.constant 0 : index
    %swap3A_36 = vector.load %arg8[%swap3A_34, %swap3A_35] : memref<1024x16xf32, #tpu.memory_space<vmem>>, vector<1024x16xf32>
    tpu.vector_store %arg8[%swap3A_34, %swap3A_35], %dot_general3A_33 {strides = array<i32>} : memref<1024x16xf32, #tpu.memory_space<vmem>>, vector<1024x16xf32>,
    return
  }
  func.func @transform_0(%arg0: i32) -> (i32, i32) {
    %c0_i32 = arith.constant 0 : i32
    %c0_i32_0 = arith.constant 0 : i32
    return %arg0, %c0_i32 : i32, i32
  }
  func.func @transform_1(%arg0: i32) -> (i32, i32) {
    %c0_i32 = arith.constant 0 : i32
    %c0_i32_0 = arith.constant 0 : i32
    return %arg0, %c0_i32 : i32, i32
  }
  func.func @transform_2(%arg0: i32) -> (i32, i32) {
    %c0_i32 = arith.constant 0 : i32
    %c0_i32_0 = arith.constant 0 : i32
    %c0_i32_1 = arith.constant 0 : i32
    return %c0_i32, %c0_i32_0 : i32, i32
  }
  func.func @transform_3(%arg0: i32) -> (i32, i32) {
    %c0_i32 = arith.constant 0 : i32
    %c0_i32_0 = arith.constant 0 : i32
    %c0_i32_1 = arith.constant 0 : i32
    return %c0_i32, %c0_i32_0 : i32, i32
  }
  func.func @transform_4(%arg0: i32) -> (i32, i32) {
    %c0_i32 = arith.constant 0 : i32
    %c0_i32_0 = arith.constant 0 : i32
    %c0_i32_1 = arith.constant 0 : i32
    return %c0_i32, %c0_i32_0 : i32, i32
  }
  func.func @transform_5(%arg0: i32) -> (i32, i32) {
    %c0_i32 = arith.constant 0 : i32
    %c0_i32_0 = arith.constant 0 : i32
    %c0_i32_1 = arith.constant 0 : i32
    return %c0_i32, %c0_i32_0 : i32, i32
  }
  func.func @transform_6(%arg0: i32) -> (i32, i32) {
    %c0_i32 = arith.constant 0 : i32
    %c0_i32_0 = arith.constant 0 : i32
    return %arg0, %c0_i32 : i32, i32
  }
  func.func @transform_7(%arg0: i32) -> (i32, i32) {
    %c0_i32 = arith.constant 0 : i32
    %c0_i32_0 = arith.constant 0 : i32
    return %arg0, %c0_i32 : i32, i32
  }
}

module attributes {stable_mosaic.version = 14 : i64} {
  func.func @_combine2_body(%arg0: i32, %arg1: memref<1024x32xf32, #tpu.memory_space<vmem>>, %arg2: memref<1024x32xf32, #tpu.memory_space<vmem>>, %arg3: memref<1x16xf32, #tpu.memory_space<vmem>>, %arg4: memref<1024x16xf32, #tpu.memory_space<vmem>>) attributes {dimension_semantics = [#tpu.dimension_semantics<arbitrary>], iteration_bounds = array<i64: 10>, scalar_prefetch = 0 : i64, scratch_operands = 0 : i64, tpu.core_type = #tpu.core_type<tc>, window_params = [{transform_indices = @transform_0, window_bounds = array<i64: 1024, 32>}, {transform_indices = @transform_1, window_bounds = array<i64: 1024, 32>}, {pipeline_mode = #tpu.pipeline_mode<synchronous>, transform_indices = @transform_2, window_bounds = array<i64: 1, 16>}, {transform_indices = @transform_3, window_bounds = array<i64: 1024, 16>}]} {
    %get3A = arith.constant 0 : index
    %get3A_0 = arith.constant 0 : index
    %get3A_1 = vector.load %arg1[%get3A, %get3A_0] : memref<1024x32xf32, #tpu.memory_space<vmem>>, vector<1024x32xf32>
    %get3A_2 = arith.constant 0 : index
    %get3A_3 = arith.constant 0 : index
    %get3A_4 = vector.load %arg2[%get3A_2, %get3A_3] : memref<1024x32xf32, #tpu.memory_space<vmem>>, vector<1024x32xf32>
    %add3A = arith.addf %get3A_1, %get3A_4 : vector<1024x32xf32>
    %slice3A = vector.extract_strided_slice %add3A {offsets = [0, 0], sizes = [1024, 16], strides = [1, 1]} : vector<1024x32xf32> to vector<1024x16xf32>
    %slice3A_5 = vector.extract_strided_slice %add3A {offsets = [0, 16], sizes = [1024, 1], strides = [1, 1]} : vector<1024x32xf32> to vector<1024x1xf32>
    %add3A_6 = arith.constant 1.000000e-16 : f32
    %add3A_7 = vector.broadcast %add3A_6 : f32 to vector<1024x1xf32>
    %add3A_8 = arith.addf %slice3A_5, %add3A_7 : vector<1024x1xf32>
    %div3A = arith.constant 1.000000e+00 : f32
    %div3A_9 = vector.broadcast %div3A : f32 to vector<1024x1xf32>
    %div3A_10 = arith.divf %div3A_9, %add3A_8 : vector<1024x1xf32>
    %broadcast_in_dim3A = arith.constant 1.000000e+00 : f32
    %broadcast_in_dim3A_11 = vector.broadcast %broadcast_in_dim3A : f32 to vector<1x16xf32>
    %dot_general3A = arith.constant dense<0.000000e+00> : vector<1024x16xf32>
    %dot_general3A_12 = tpu.matmul %div3A_10, %broadcast_in_dim3A_11, %dot_general3A {dimension_numbers = #tpu.dot_dimension_numbers<[1], [0], [0], [1], [0, 0, 1, 1], [], []>, transpose_lhs_hint = false} : vector<1024x1xf32>, vector<1x16xf32>, vector<1024x16xf32> -> vector<1024x16xf32>
    %mul3A = arith.mulf %slice3A, %dot_general3A_12 : vector<1024x16xf32>
    %get3A_13 = arith.constant 0 : index
    %get3A_14 = arith.constant 0 : index
    %get3A_15 = vector.load %arg3[%get3A_13, %get3A_14] : memref<1x16xf32, #tpu.memory_space<vmem>>, vector<1x16xf32>
    %add3A_16 = vector.broadcast %get3A_15 : vector<1x16xf32> to vector<1024x16xf32>
    %add3A_17 = arith.addf %mul3A, %add3A_16 : vector<1024x16xf32>
    %max3A = arith.constant 0.000000e+00 : f32
    %max3A_18 = vector.broadcast %max3A : f32 to vector<1024x16xf32>
    %max3A_19 = arith.maximumf %add3A_17, %max3A_18 : vector<1024x16xf32>
    %swap3A = arith.constant 0 : index
    %swap3A_20 = arith.constant 0 : index
    %swap3A_21 = vector.load %arg4[%swap3A, %swap3A_20] : memref<1024x16xf32, #tpu.memory_space<vmem>>, vector<1024x16xf32>
    tpu.vector_store %arg4[%swap3A, %swap3A_20], %max3A_19 {strides = array<i32>} : memref<1024x16xf32, #tpu.memory_space<vmem>>, vector<1024x16xf32>,
    return
  }
  func.func @transform_0(%arg0: i32) -> (i32, i32) {
    %c0_i32 = arith.constant 0 : i32
    %c0_i32_0 = arith.constant 0 : i32
    return %arg0, %c0_i32 : i32, i32
  }
  func.func @transform_1(%arg0: i32) -> (i32, i32) {
    %c0_i32 = arith.constant 0 : i32
    %c0_i32_0 = arith.constant 0 : i32
    return %arg0, %c0_i32 : i32, i32
  }
  func.func @transform_2(%arg0: i32) -> (i32, i32) {
    %c0_i32 = arith.constant 0 : i32
    %c0_i32_0 = arith.constant 0 : i32
    %c0_i32_1 = arith.constant 0 : i32
    return %c0_i32, %c0_i32_0 : i32, i32
  }
  func.func @transform_3(%arg0: i32) -> (i32, i32) {
    %c0_i32 = arith.constant 0 : i32
    %c0_i32_0 = arith.constant 0 : i32
    return %arg0, %c0_i32 : i32, i32
  }
}

</mosaic_0001>

<sc_bundles>
// kernel: kernel.10.cloned.1.call-start
scs
__scs_entry_jumppad:
0x0: {  	(pc) =	sbr.rel $0x88, $3  }
0x1: {  	(tag) =	ssettag $0x0;
	lr =	simm.s32 $0x1  }
0x2: {  	[smem:$0x3F97] =	sst lr;
	_ =	strace $0xD0000000  }
0x3: {  	_ = 	snop  }
0x4: {  	_ = 	snop  }
0x5: {  	_ = 	snop  }
0x6: {  	_ = 	snop  }
0x7: {  	_ = 	snop  }
__scs_overlays_trampoline_lowered:
0x8: {  	[smem:$0x3FA6] =	sst s0  }
0x9: {  	[smem:$0x3FA7] =	sst s1  }
0xa: {  	[smem:$0x3FA8] =	sst s2  }
0xb: {  	[smem:$0x3FA9] =	sst s3  }
0xc: {  	[smem:$0x3FAA] =	sst s4  }
0xd: {  	[smem:$0x3FAB] =	sst s5  }
0xe: {  	[smem:$0x3FAC] =	sst s6  }
0xf: {  	[smem:$0x3FAD] =	sst s7  }
0x10: {  	[smem:$0x3FAE] =	sst s8  }
0x11: {  	[smem:$0x3FAF] =	sst s9;
	s0 =	simm.s32 @!p0 $0x0  }
0x12: {  	s1 =	sld [smem:$0x3F95];
	s0 =	simm.s32 @p0 $0x1  }
0x13: {  	[smem:$0x3FB0] =	sst s0;
	s0 =	simm.s32 @!p1 $0x0  }
0x14: {  	s2 =	sld [smem:$0x3F94];
	s0 =	simm.s32 @p1 $0x1  }
0x15: {  	[smem:$0x3FB1] =	sst s0;
	s0 =	simm.s32 @!p2 $0x0  }
0x16: {  	s3 =	sld [smem:$0x3FDB];
	s0 =	simm.s32 @p2 $0x1  }
0x17: {  	s4 =	simm.s32 $0x1BF5;
	[smem:$0x3FB3] =	sst s0  }
0x18: {  	s0 =	sld [smem:$0x3F96];
	_ =	swait.ge [sflag:s4], $0x0  }
0x19: {  	s7 =	sld [smem:$0x3F97]  }
0x1a: {  	s8 =	sadd.s32 $0xFFFFE003, lr  }
0x1b: {  	s9 =	sadd.s32 $0xFFFFFEF7, lr;
	s5 =	simm.s32 $0xFFFFFFFF;
	p2 =	slt.u32 s8, $0xFFFFF086  }
0x1c: {  	p1 =	slt.u32 s9, $0xF7A;
	s5 =	simm.s32 @!p2 $0x0  }
0x1d: {  	s5 =	simm.s32 @p1 $0x1;
	p0 =	seq.s32 s7, s2  }
0x1e: {  	s7 =	smul.u32 @!p0 $0xF7A, s2;
	p2 =	seq.s32 @!p0 s5, $0x0  }
0x1f: {  	s9 =	smul.u32 $0xF7A, s1;
	s8 =	simm.s32 @!p0 $0x1BF5;
	p2 =	por !p2, p0  }
0x20: {  	[sflag:s8] =	ssyncset.s32 @!p0 $0xFFFFF086;
	s6 =	sadd.s32 @!p0 s3, s7;
	s7 =	simm.s32 @!p0 $0x108  }
0x21: {  	s3 =	sadd.s32 s3, s9;
	s6 =	sadd.s32 @!p0 $0x88, s6;
	s7 =	simm.s32 @p2 $0x1082  }
0x22: {  	[simem:s7], [sflag:s8] =	dma.local @!p0 [hbm:s6], $0xF7A  }
0x23: {  	s9 =	sor.u32 $0xD0000000, s2;
	s6 =	simm.s32 $0x108;
	_ =	swait.ge @!p0 [sflag:s8], $0x0  }
0x24: {  	s3 =	sadd.s32 $0x88, s3;
	s6 =	simm.s32 @!p1 $0x1082;
	[sflag:s4] =	ssyncset.s32 $0xFFFFF086  }
0x25: {  	[simem:s6], [sflag:s4] =	dma.local [hbm:s3], $0xF7A  }
0x26: {  	[smem:$0x3F97] =	sst s1;
	(tag) =	ssettag s2;
	_ =	strace s9  }
0x27: {  	s1 =	sld [smem:$0x3FA7]  }
0x28: {  	s2 =	sld [smem:$0x3FA8]  }
0x29: {  	s4 =	sld [smem:$0x3FAA]  }
0x2a: {  	p0 =	seq.s32 s5, $0x0;
	s5 =	sld [smem:$0x3FAB]  }
0x2b: {  	s6 =	sld [smem:$0x3FAC]  }
0x2c: {  	s7 =	sld [smem:$0x3FAD]  }
0x2d: {  	s3 =	simm.s32 $0x108;
	s8 =	sld [smem:$0x3FAE]  }
0x2e: {  	s3 =	simm.s32 @!p0 $0x1082;
	s9 =	sld [smem:$0x3FAF]  }
0x2f: {  	lr =	sadd.s32 s0, s3;
	s0 =	sld [smem:$0x3FA6]  }
0x30: {  	s3 =	sld [smem:$0x3FA9]  }
0x31: {  	[smem:$0x3FB2] =	sst s10  }
0x32: {  	s10 =	sld [smem:$0x3FB0];
	_ =	sdelay $0x3  }
0x33: {  	p0 =	seq.s32 s10, $0x1;
	s10 =	sld [smem:$0x3FB2];
	_ =	sdelay $0x3  }
0x34: {  	[smem:$0x3FB2] =	sst s10  }
0x35: {  	s10 =	sld [smem:$0x3FB1];
	_ =	sdelay $0x3  }
0x36: {  	p1 =	seq.s32 s10, $0x1;
	s10 =	sld [smem:$0x3FB2];
	_ =	sdelay $0x3  }
0x37: {  	[smem:$0x3FB2] =	sst s10  }
0x38: {  	s10 =	sld [smem:$0x3FB3]  }
0x39: {  	_ = 	snop;
	(pc) =	sbr.ind lr, $3  }
0x3a: {  	_ = 	snop  }
0x3b: {  	_ = 	snop  }
0x3c: {  	p2 =	seq.s32 s10, $0x1;
	s10 =	sld [smem:$0x3FB2]  }
0x3d: {  	_ =	shalt  }
0x3e: {  	_ =	shalt  }
0x3f: {  	_ =	shalt  }
0x40: {  	_ =	shalt  }
0x41: {  	_ =	shalt  }
0x42: {  	_ =	shalt  }
0x43: {  	_ =	shalt  }
0x44: {  	_ =	shalt  }
0x45: {  	_ =	shalt  }
0x46: {  	_ =	shalt  }
0x47: {  	_ =	shalt  }
0x48: {  	_ =	shalt  }
0x49: {  	_ =	shalt  }
0x4a: {  	_ =	shalt  }
0x4b: {  	_ =	shalt  }
0x4c: {  	_ =	shalt  }
0x4d: {  	_ =	shalt  }
0x4e: {  	_ =	shalt  }
0x4f: {  	_ =	shalt  }
0x50: {  	_ =	shalt  }
0x51: {  	_ =	shalt  }
0x52: {  	_ =	shalt  }
0x53: {  	_ =	shalt  }
0x54: {  	_ =	shalt  }
0x55: {  	_ =	shalt  }
0x56: {  	_ =	shalt  }
0x57: {  	_ =	shalt  }
0x58: {  	_ =	shalt  }
0x59: {  	_ =	shalt  }
0x5a: {  	_ =	shalt  }
0x5b: {  	_ =	shalt  }
0x5c: {  	_ =	shalt  }
0x5d: {  	_ =	shalt  }
0x5e: {  	_ =	shalt  }
0x5f: {  	_ =	shalt  }
0x60: {  	_ =	shalt  }
0x61: {  	_ =	shalt  }
0x62: {  	_ =	shalt  }
0x63: {  	_ =	shalt  }
0x64: {  	_ =	shalt  }
0x65: {  	_ =	shalt  }
0x66: {  	_ =	shalt  }
0x67: {  	_ =	shalt  }
0x68: {  	_ =	shalt  }
0x69: {  	_ =	shalt  }
0x6a: {  	_ =	shalt  }
0x6b: {  	_ =	shalt  }
0x6c: {  	_ =	shalt  }
0x6d: {  	_ =	shalt  }
0x6e: {  	_ =	shalt  }
0x6f: {  	_ =	shalt  }
0x70: {  	_ =	shalt  }
0x71: {  	_ =	shalt  }
0x72: {  	_ =	shalt  }
0x73: {  	_ =	shalt  }
0x74: {  	_ =	shalt  }
0x75: {  	_ =	shalt  }
0x76: {  	_ =	shalt  }
0x77: {  	_ =	shalt  }
0x78: {  	_ =	shalt  }
0x79: {  	_ =	shalt  }
0x7a: {  	_ =	shalt  }
0x7b: {  	_ =	shalt  }
0x7c: {  	_ =	shalt  }
0x7d: {  	_ =	shalt  }
0x7e: {  	_ =	shalt  }
0x7f: {  	_ =	shalt  }
0x80: {  	_ =	shalt  }
0x81: {  	_ =	shalt  }
0x82: {  	_ =	shalt  }
0x83: {  	_ =	shalt  }
0x84: {  	_ =	shalt  }
0x85: {  	_ =	shalt  }
0x86: {  	_ =	shalt  }
0x87: {  	_ =	shalt  }
.Lfunc_end0:
.L_simem_size_0:
called_computation.1_lowered:
.L_overlay_start_0:
0x88: {  	s2 =	sld [smem:$0x3FD9]  }
0x89: {  	s3 =	sld [smem:$0x3FFE];
	_ =	sdelay $0x1  }
0x8a: {  	s1 =	srdreg.scid  }
0x8b: {  	s0 =	sand.u32 $0x1, s1  }
0x8c: {  	s17 =	sshll.u32 s0, $0xA;
	s2 =	sadd.s32 s3, s2  }
0x8d: {  	s2 =	sadd.s32 s2, s17  }
0x8e: {  	[smem:$0x3FBE] =	sst s2  }
0x8f: {  	_ = 	snop  }
0x90: {  	s2 =	sld [smem:$0x3FD0];
	(tm) =	ssettm $0x1  }
0x91: {  	s18 =	sld [smem:$0x3FFB];
	_ =	sdelay $0x3  }
0x92: {  	_ =	strace s18  }
0x93: {  	s3 =	sld [smem:$0x3FFC];
	_ =	sdelay $0x3  }
0x94: {  	_ =	strace s3  }
0x95: {  	s3 =	sld [smem:$0x3FFD];
	_ =	sdelay $0x3  }
0x96: {  	_ =	strace s3  }
0x97: {  	_ =	strace $0x8FFFFFFF  }
0x98: {  	s19 =	sld [smem:$0x3FDB];
	_ =	sdelay $0x1  }
0x99: {  	s4 =	simm.s32 $_scs_section_size  }
0x9a: {  	s5 =	simm.s32 $_size__tile_overlayer_lowered;
	s6 =	simm.s32 $_tile_overlayer_lowered  }
0x9b: {  	s22 =	simm.s32 $0x1BFF;
	s21 =	sshll.u32 s6, $0x1;
	s3 =	sadd.s32 s4, s19  }
0x9c: {  	s7 =	simm.s32 $0x0;
	s20 =	sshll.u32 s5, $0x1;
	s5 =	sadd.s32 s21, s3  }
0x9d: {  	[timem:s7], [sflag:s22] =	dma.local [hbm:s5], s20  }
0x9e: {  	_ =	swait.ge [sflag:s22], s20  }
0x9f: {  	s4 =	ssub.s32 $0x0, s20;
	[sflag:s22] =	ssyncset.done $0x0  }
0xa0: {  	[sflag:s22] =	ssyncadd.s32 s4;
	_ =	sdelay $0x1  }
0xa1: {  	s23 =	simm.s32 $0x1B8B  }
0xa2: {  	_ =	swait.ge [sflag:s23], $0x1  }
0xa3: {  	[sflag:s23] =	ssyncset.done $0x0  }
0xa4: {  	s25 =	simm.s32 $0x1B8E;
	s24 =	sld [smem:$0x3FFE];
	[sflag:s23] =	ssyncadd.s32 $0xFFFFFFFF  }
0xa5: {  	s26 =	simm.s32 $execute0_lowered;
	[smem:$0x3FD2] =	sst s25  }
0xa6: {  	s5 =	sshll.u32 s26, $0x1;
	_ =	strace $0x80000049;
	[dreg:$0x1] =	wrdreg $0xFFFFFFFF  }
0xa7: {  	s28 =	simm.s32 $_size_execute0_lowered;
	s3 =	sadd.s32 s3, s5;
	[dreg:$0x0] =	wrdreg $0x0  }
0xa8: {  	s5 =	sshll.u32 s28, $0x1;
	[dreg:$0x2] =	wrdreg s3  }
0xa9: {  	[dreg:$0x3] =	wrdreg s5  }
0xaa: {  	[dreg:$0x4] =	wrdreg $0xC0  }
0xab: {  	_ =	task [dreg:s7], $0x5FFFF  }
0xac: {  	[dreg:$0x1] =	wrdreg $0xFFFFFFFF  }
0xad: {  	[dreg:$0x0] =	wrdreg $0x60  }
0xae: {  	[dreg:$0x2] =	wrdreg s24  }
0xaf: {  	[dreg:$0x3] =	wrdreg s2  }
0xb0: {  	[dreg:$0x4] =	wrdreg $0x3F000  }
0xb1: {  	[dreg:$0x5] =	wrdreg $0x8F000  }
0xb2: {  	[dreg:$0x6] =	wrdreg $0xDF000  }
0xb3: {  	[dreg:$0x7] =	wrdreg $0x9  }
0xb4: {  	_ =	task.clear_ibuf [dreg:s7], $0x8FFFF;
	_ =	strace $0x90000049  }
0xb5: {  	s29 =	simm.s32 $0x9;
	_ =	strace $0x8000004B  }
0xb6: {  	_ =	swait.ge [sflag:s29], $0x1  }
0xb7: {  	[sflag:s29] =	ssyncadd.s32 $0xFFFFFFFF  }
0xb8: {  	_ =	strace $0x9000004B  }
0xb9: {  	_ =	sfence  }
0xba: {  	s30 =	sld [smem:$0x0];
	_ =	sdelay $0x2  }
0xbb: {  	s31 =	sshll.u32 s1, $0xD;
	s1 =	sshrl.u32 s1, $0x2  }
0xbc: {  	s3 =	sand.u32 $0x4000, s31;
	s1 =	sadd.s32 s1, s30  }
0xbd: {  	s0 =	sor.u32 s3, s0;
	s1 =	sshll.u32 s1, $0x11  }
0xbe: {  	s0 =	sor.u32 s1, s0  }
0xbf: {  	s0 =	sadd.s32 $0x8F2B, s0  }
0xc0: {  	[sflag:s0] =	ssyncadd.remote.s32 $0x1  }
0xc1: {  	_ =	sfence.sel $0xFFFF  }
0xc2: {  	[dreg:$0x0] =	wrdreg $0xFFFFFFFF;
	(pc) =	sbr.abs _section_cstart, $3  }
0xc3: {  	[dreg:$0x1] =	wrdreg $0xFFFFFFFF  }
0xc4: {  	_ =	task.clear_ibuf [dreg:s7], $0x2FFFF;
	_ =	strace $0x9FFFFFFF  }
0xc5: {  	(tm) =	ssettm $0x7FFFFFFF  }
tec
execute0_lowered:
.L_overlay_start_1:
0x0: {  	(tag) =	ssettag $0x1  }
0x1: {  	s0 =	rddreg [dreg:$0x0]  }
0x2: {  	s3 =	rddreg [dreg:$0x2]  }
0x3: {  	s4 =	rddreg [dreg:$0x3]  }
0x4: {  	s5 =	rddreg [dreg:$0x4];
	s15 =	stileid.u32  }
0x5: {  	s2 =	srdreg.scid;
	s6 =	simm.s32 $0x0;
	s16 =	simm.s32 $0x3  }
0x6: {  	s19 =	simm.s32 $0xD80;
	s20 =	simm.s32 $0x60;
	s21 =	simm.s32 $0x1B00  }
0x7: {  	s22 =	simm.s32 $0x3300;
	s23 =	simm.s32 $0x2700;
	s24 =	simm.s32 $0x3900  }
0x8: {  	s25 =	simm.s32 $0x1;
	s26 =	simm.s32 $0x2;
	s1 =	smul.u32 $0x5000, s15  }
0x9: {  	s10 =	smul.u32 $0x2800, s15;
	s2 =	sand.u32 $0x1, s2;
	[smem:$0x7FF] =	sst s6  }
0xa: {  	s30 =	sshll.u32 s15, $0x6;
	s8 =	smul.u32 $0x50000, s2;
	_ =	strace $0x8000004A  }
0xb: {  	s13 =	ssub.s32 $0x2, s2;
	s2 =	sshll.u32 s2, $0x4;
	s7 =	sshrl.u32 s1, $0x3  }
0xc: {  	s28 =	sshrl.u32 s10, $0x3;
	s29 =	sshrl.u32 s13, $0x1;
	s2 =	sor.u32 s15, s2  }
0xd: {  	s31 =	sadd.s32 s1, s3;
	s10 =	sadd.s32 s10, s5;
	s11 =	sadd.s32 s7, s0  }
0xe: {  	s12 =	sadd.s32 s28, s0;
	s7 =	sadd.s32 $0x3DA00, s0;
	s9 =	sadd.s32 s1, s8  }
0xf: {  	s8 =	sadd.s32 $0x33800, s0;
	s14 =	ssub.s32 s13, s29;
	s1 =	sadd.s32 s1, s4  }
0x10: {  	s15 =	sshrl.u32 s31, $0x3;
	s18 =	sshrl.u32 s10, $0x3;
	s9 =	sshrl.u32 s9, $0x3  }
0x11: {  	s11 =	sadd.s32 $0x1800, s11;
	s14 =	smax.u32 s14, $0x1;
	s17 =	sshrl.u32 s1, $0x3  }
0x12: {  	s0 =	sadd.s32 s9, s0;
	s9 =	sor.u32 $0x1C03, s30;
	[dreg:$0x6] =	wrdreg s11  }
0x13: {  	vm0 =	vmmov $0x1;
	s11 =	sadd.s32 $0xB800, s12;
	s12 =	smul.u32 $0x2880, s2;
	s13 =	sadd.s32 $0x10800, s0  }
.LBB2_1:
0x14: {  	s0 =	rddreg [dreg:$0x1]  }
0x15: {  	[spmem:s15], [sflag:s9] =	dma.local [hbm:s0], $0xA00  }
0x16: {  	_ =	swait.ge [sflag:s16], $0xA00  }
0x17: {  	[sflag:s16] =	ssyncset.done $0x0  }
0x18: {  	s31 =	rddreg [dreg:$0x6];
	[sflag:s16] =	ssyncadd.s32 $0xFFFFF600  }
0x19: {  	[spmem:s17], [sflag:s9] =	dma.local [hbm:s31], $0xA00  }
0x1a: {  	_ =	swait.ge [sflag:s16], $0xA00  }
0x1b: {  	[sflag:s16] =	ssyncset.done $0x0  }
0x1c: {  	[sflag:s16] =	ssyncadd.s32 $0xFFFFF600  }
0x1d: {  	[spmem:s18], [sflag:s9] =	dma.local [hbm:s11], $0x500  }
0x1e: {  	_ =	swait.ge [sflag:s16], $0x500  }
0x1f: {  	[sflag:s16] =	ssyncset.done $0x0  }
0x20: {  	[sflag:s16] =	ssyncadd.s32 $0xFFFFFB00  }
0x21: {  	s28 =	simm.s32 $0x0;
	[bflag:$0x0] =	sbarrier.arrive $0xFFFF  }
.LBB2_2:
0x22: {  	s0 =	smul.u32 $0xD80, s28;
	_ =	sdelay $0x1  }
0x23: {  	s0 =	sadd.s32 s12, s0  }
0x24: {  	s0 =	sshrl.u32 s0, $0x3  }
0x25: {  	s29 =	simm.s32 $0x0;
	s1 =	sadd.s32 s7, s0  }
0x26: {  	[tilespmem:s29], [sflag:$0x3] =	stream.linear.gather [hbm4b:s1+s29], $0xD80, $0x38;
	[tilespmem:$0x10700] =	vst v63  }
0x27: {  	_ =	swait.ge [sflag:s16], $0xD80  }
0x28: {  	[sflag:s16] =	ssyncset.done $0x0  }
0x29: {  	s0 =	sadd.s32 s8, s0;
	[sflag:s16] =	ssyncadd.s32 $0xFFFFF280  }
0x2a: {  	[tilespmem:s19], [sflag:$0x3] =	stream.linear.gather [hbm4b:s0+s29], $0xD80, $0x38;
	[tilespmem:$0x10700] =	vst v63  }
0x2b: {  	_ =	swait.ge [sflag:s16], $0xD80  }
0x2c: {  	[sflag:s16] =	ssyncset.done $0x0  }
0x2d: {  	[sflag:s16] =	ssyncadd.s32 $0xFFFFF280  }
0x2e: {  	[tilespmem:s21], [sflag:$0x1] =	stream.indirect.gather [spmem:s4], $0x20, s29, s20, $0xb8;
	[tilespmem:$0x10700] =	vst v63  }
0x2f: {  	_ = 	snop  }
0x30: {  	[tilespmem:s22], [sflag:$0x1] =	stream.indirect.gather [spmem:s5], $0x10, s19, s20, $0xb8;
	[tilespmem:$0x10700] =	vst v63  }
.LBB2_3:
0x31: {  	s31 =	smul.u32 $0xC0, s29;
	_ =	sdelay $0x1  }
0x32: {  	s0 =	sadd.s32 $0x60, s31  }
0x33: {  	[tilespmem:s23], [sflag:$0x2] =	stream.indirect.gather [spmem:s4], $0x20, s0, s20, $0xb8;
	[tilespmem:$0x10700] =	vst v63  }
0x34: {  	s30 =	sadd.s32 $0xDE0, s31  }
0x35: {  	[tilespmem:s24], [sflag:$0x2] =	stream.indirect.gather [spmem:s5], $0x10, s30, s20, $0xb8;
	[tilespmem:$0x10700] =	vst v63  }
0x36: {  	_ =	swait.ge [sflag:s25], $0xC00  }
0x37: {  	[sflag:s25] =	ssyncset.done $0x0  }
0x38: {  	[sflag:s25] =	ssyncadd.s32 $0xFFFFF400  }
0x39: {  	_ =	swait.ge [sflag:s25], $0x600  }
0x3a: {  	[sflag:s25] =	ssyncset.done $0x0  }
0x3b: {  	s0 =	simm.s32 $0x1B10;
	[sflag:s25] =	ssyncadd.s32 $0xFFFFFA00  }
0x3c: {  	s10 =	simm.s32 $0x0;
	s1 =	simm.s32 $0x40;
	s2 =	simm.s32 $0x1B10;
	v0 =	vld [tilespmem:s0+$0x0]  }
.LBB2_4:
0x3d: {  	p0 =	sne.s32 s1, $0x17C0;
	v1 =	vld [tilespmem:s10+$0x3300];
	_ =	sdelay $0x4  }
0x3e: {  	v0 =	vadd.f32 v1, v0;
	_ =	sdelay $0x1  }
0x3f: {  	v1 =	vmul.f32 $2.000000030e-01, v0  }
0x40: {  	vm1 =	vge.f32 v0, $0.0e+00  }
0x41: {  	v0 =	vsel vm1, v0, v1  }
0x42: {  	v0 =	vmul.f32 $1.442695020e+00, v0;
	_ =	sdelay $0x1  }
0x43: {  	(erf) = vpow2.f32 v0;
	_ =	sdelay $0x6  }
0x44: {  	v0 =	vld [tilespmem:s0+$0xFFFFFFF0];
	_ =	sdelay $0x1  }
0x45: {  	v1 =	vpop (erf)  }
.Ltmp0:
0x46: {  	v2 =	vbroadcast v1, $0x0;
	v1 =	vnsel vm0, $0x0, v1;
	(pc) =	sbr.rel @p0 .LBB2_4-.Ltmp0, $4  }
0x47: {  	[tilespmem:s0+$0x0] =	vst v1  }
0x48: {  	v1 =	vmul.f32 v2, v0  }
0x49: {  	s0 =	sadd.s32 $0x20, s0  }
0x4a: {  	s10 =	sshra.s32 s1, $0x2;
	s1 =	sadd.s32 $0x40, s1;
	v0 =	vld [tilespmem:s0+$0x0];
	[tilespmem:s2+$0xFFFFFFF0] =	vst v1;
	s2 =	smov.u32 s0  }
0x4b: {  	v1 =	vld [tilespmem:s10+$0x3300];
	_ =	sdelay $0x4  }
0x4c: {  	v0 =	vadd.f32 v1, v0;
	_ =	sdelay $0x1  }
0x4d: {  	v1 =	vmul.f32 $2.000000030e-01, v0  }
0x4e: {  	vm1 =	vge.f32 v0, $0.0e+00  }
0x4f: {  	v0 =	vsel vm1, v0, v1  }
0x50: {  	v0 =	vmul.f32 $1.442695020e+00, v0;
	_ =	sdelay $0x1  }
0x51: {  	(erf) = vpow2.f32 v0;
	_ =	sdelay $0x6  }
0x52: {  	v0 =	vld [tilespmem:s0+$0xFFFFFFF0];
	_ =	sdelay $0x1  }
0x53: {  	v1 =	vpop (erf)  }
0x54: {  	v2 =	vbroadcast v1, $0x0  }
0x55: {  	s1 =	smul.u32 $0x300, s29  }
0x56: {  	v1 =	vnsel vm0, $0x0, v1;
	v0 =	vmul.f32 v2, v0  }
0x57: {  	s10 =	sshra.s32 s1, $0x2;
	[tilespmem:s0+$0x0] =	vst v1  }
0x58: {  	s0 =	sadd.s32 $0xD80, s10;
	[tilespmem:s2+$0xFFFFFFF0] =	vst v0  }
0x59: {  	[spmem:s3] =	stream.indirect.scatter.add.f32 [tilespmem:s21], [sflag:$0x3], $0x20, s0, s20, $0xb8;
	[tilespmem:$0x10700] =	vst v63  }
0x5a: {  	p0 =	seq.s32 s29, $0x11;
	_ =	swait.ge [sflag:s16], $0xC00  }
0x5b: {  	s1 =	simm.s32 @!p0 $0x60;
	[sflag:s16] =	ssyncset.done $0x0  }
0x5c: {  	s2 =	simm.s32 @!p0 $0x1B00;
	s0 =	sadd.s32 @!p0 $0xC0, s31;
	[sflag:s16] =	ssyncadd.s32 $0xFFFFF400  }
0x5d: {  	[tilespmem:s2], [sflag:$0x1] =	stream.indirect.gather @!p0 [spmem:s4], $0x20, s0, s1, $0xb8;
	[tilespmem:$0x10700] =	vst v63  }
0x5e: {  	s0 =	sadd.s32 @!p0 $0xE40, s31;
	s2 =	simm.s32 @!p0 $0x3300  }
0x5f: {  	[tilespmem:s2], [sflag:$0x1] =	stream.indirect.gather @!p0 [spmem:s5], $0x10, s0, s1, $0xb8;
	[tilespmem:$0x10700] =	vst v63  }
0x60: {  	_ =	swait.ge [sflag:s26], $0xC00  }
0x61: {  	[sflag:s26] =	ssyncset.done $0x0  }
0x62: {  	[sflag:s26] =	ssyncadd.s32 $0xFFFFF400  }
0x63: {  	_ =	swait.ge [sflag:s26], $0x600  }
0x64: {  	[sflag:s26] =	ssyncset.done $0x0  }
0x65: {  	s0 =	simm.s32 $0x2710;
	[sflag:s26] =	ssyncadd.s32 $0xFFFFFA00  }
0x66: {  	s10 =	simm.s32 $0x0;
	s1 =	simm.s32 $0x40;
	s2 =	simm.s32 $0x2710;
	v0 =	vld [tilespmem:s0+$0x0]  }
.LBB2_6:
0x67: {  	p0 =	sne.s32 s1, $0x17C0;
	v1 =	vld [tilespmem:s10+$0x3900];
	_ =	sdelay $0x4  }
0x68: {  	v0 =	vadd.f32 v1, v0;
	_ =	sdelay $0x1  }
0x69: {  	v1 =	vmul.f32 $2.000000030e-01, v0  }
0x6a: {  	vm1 =	vge.f32 v0, $0.0e+00  }
0x6b: {  	v0 =	vsel vm1, v0, v1  }
0x6c: {  	v0 =	vmul.f32 $1.442695020e+00, v0;
	_ =	sdelay $0x1  }
0x6d: {  	(erf) = vpow2.f32 v0;
	_ =	sdelay $0x6  }
0x6e: {  	v0 =	vld [tilespmem:s0+$0xFFFFFFF0];
	_ =	sdelay $0x1  }
0x6f: {  	v1 =	vpop (erf)  }
.Ltmp1:
0x70: {  	v2 =	vbroadcast v1, $0x0;
	v1 =	vnsel vm0, $0x0, v1;
	(pc) =	sbr.rel @p0 .LBB2_6-.Ltmp1, $4  }
0x71: {  	[tilespmem:s0+$0x0] =	vst v1  }
0x72: {  	v1 =	vmul.f32 v2, v0  }
0x73: {  	s0 =	sadd.s32 $0x20, s0  }
0x74: {  	s10 =	sshra.s32 s1, $0x2;
	s1 =	sadd.s32 $0x40, s1;
	v0 =	vld [tilespmem:s0+$0x0];
	[tilespmem:s2+$0xFFFFFFF0] =	vst v1;
	s2 =	smov.u32 s0  }
0x75: {  	v1 =	vld [tilespmem:s10+$0x3900];
	_ =	sdelay $0x4  }
0x76: {  	v0 =	vadd.f32 v1, v0;
	_ =	sdelay $0x1  }
0x77: {  	v1 =	vmul.f32 $2.000000030e-01, v0  }
0x78: {  	vm1 =	vge.f32 v0, $0.0e+00  }
0x79: {  	v0 =	vsel vm1, v0, v1  }
0x7a: {  	v0 =	vmul.f32 $1.442695020e+00, v0;
	_ =	sdelay $0x1  }
0x7b: {  	(erf) = vpow2.f32 v0;
	_ =	sdelay $0x6  }
0x7c: {  	v62 =	vld [tilespmem:s0+$0xFFFFFFF0];
	_ =	sdelay $0x1  }
0x7d: {  	v63 =	vpop (erf)  }
0x7e: {  	v2 =	vbroadcast v63, $0x0;
	_ =	sdelay $0x1  }
0x7f: {  	s29 =	sadd.s32 $0x1, s29;
	v1 =	vnsel vm0, $0x0, v63;
	v0 =	vmul.f32 v2, v62  }
0x80: {  	p0 =	sne.s32 s29, $0x12;
	[tilespmem:s0+$0x0] =	vst v1  }
.Ltmp2:
0x81: {  	[tilespmem:s2+$0xFFFFFFF0] =	vst v0;
	(pc) =	sbr.rel @p0 .LBB2_3-.Ltmp2, $4  }
0x82: {  	[spmem:s3] =	stream.indirect.scatter.add.f32 [tilespmem:s23], [sflag:$0x3], $0x20, s30, s20, $0xb8;
	[tilespmem:$0x10700] =	vst v63  }
0x83: {  	_ =	swait.ge [sflag:s16], $0xC00  }
0x84: {  	[sflag:s16] =	ssyncset.done $0x0  }
0x85: {  	[sflag:s16] =	ssyncadd.s32 $0xFFFFF400  }
0x86: {  	s28 =	sadd.s32 $0x1, s28  }
0x87: {  	p0 =	sne.s32 s28, $0x3  }
.Ltmp3:
0x88: {  	_ = 	snop;
	(pc) =	sbr.rel @p0 .LBB2_2-.Ltmp3, $1  }
0x89: {  	_ =	sdelay $0x3  }
0x8a: {  	s6 =	sadd.s32 $0x1, s6  }
0x8b: {  	p0 =	sne.s32 s6, s14  }
.Ltmp4:
0x8c: {  	[bflag:$0x0] =	sbarrier.arrive $0xFFFF;
	(pc) =	sbr.rel @p0 .LBB2_1-.Ltmp4, $4  }
0x8d: {  	[hbm:s13], [sflag:s9] =	dma.local [spmem:s15], $0xA00  }
0x8e: {  	_ =	swait.ge [sflag:s16], $0xA00  }
0x8f: {  	[sflag:s16] =	ssyncset.done $0x0  }
0x90: {  	[sflag:s16] =	ssyncadd.s32 $0xFFFFF600  }
0x91: {  	_ =	sfence.sel $0x180000  }
0x92: {  	[bflag:$0x0] =	sbarrier.arrive $0xFFFF  }
0x93: {  	_ =	strace $0x9000004A  }
0x94: {  	s0 =	stileid.u32;
	[bflag:$0x2] =	sbarrier.arrive $0xFFFF  }
0x95: {  	p0 =	sne.s32 s0, $0x0;
	s0 =	rddreg [dreg:$0x5]  }
0x96: {  	s0 =	sadd.s32 @!p0 $0x100000, s0  }
0x97: {  	[sflag:s0] =	ssyncadd.tile.s32 @!p0 $0x1;
	_ =	shalt  }
.Lfunc_end2:
_tile_overlayer_lowered:
.L_overlay_start_2:
0x98: {  	(tag) =	ssettag $0x2  }
0x99: {  	s0 =	rddreg [dreg:$0x0];
	s2 =	stileid.u32  }
0x9a: {  	s1 =	rddreg [dreg:$0x1];
	p0 =	sne.s32 s2, $0x0  }
0x9b: {  	s3 =	rddreg [dreg:$0x2];
	[bflag:$0x3] =	sbarrier.arrive $0xFFFF;
	s2 =	simm.s32 @!p0 $0x1C03  }
0x9c: {  	[timem:s3], [sflag:s2] =	dma.local @!p0 [hbm:s0], s1  }
0x9d: {  	s0 =	simm.s32 @!p0 $0x3  }
0x9e: {  	_ =	swait.ge @!p0 [sflag:s0], s1  }
0x9f: {  	s1 =	ssub.s32 @!p0 $0x0, s1;
	[sflag:s0] =	ssyncset.done @!p0 $0x0  }
0xa0: {  	[sflag:s0] =	ssyncadd.s32 @!p0 s1  }
0xa1: {  	[bflag:$0x3] =	sbarrier.arrive $0xFFFF  }
0xa2: {  	_ =	shalt  }

// kernel: kernel.7.cloned.1.call-start
scs
__scs_entry_jumppad:
0x0: {  	(pc) =	sbr.rel $0x88, $3  }
0x1: {  	(tag) =	ssettag $0x0;
	lr =	simm.s32 $0x1  }
0x2: {  	[smem:$0x3F97] =	sst lr;
	_ =	strace $0xD0000000  }
0x3: {  	_ = 	snop  }
0x4: {  	_ = 	snop  }
0x5: {  	_ = 	snop  }
0x6: {  	_ = 	snop  }
0x7: {  	_ = 	snop  }
__scs_overlays_trampoline_lowered:
0x8: {  	[smem:$0x3FA6] =	sst s0  }
0x9: {  	[smem:$0x3FA7] =	sst s1  }
0xa: {  	[smem:$0x3FA8] =	sst s2  }
0xb: {  	[smem:$0x3FA9] =	sst s3  }
0xc: {  	[smem:$0x3FAA] =	sst s4  }
0xd: {  	[smem:$0x3FAB] =	sst s5  }
0xe: {  	[smem:$0x3FAC] =	sst s6  }
0xf: {  	[smem:$0x3FAD] =	sst s7  }
0x10: {  	[smem:$0x3FAE] =	sst s8  }
0x11: {  	[smem:$0x3FAF] =	sst s9;
	s0 =	simm.s32 @!p0 $0x0  }
0x12: {  	s1 =	sld [smem:$0x3F95];
	s0 =	simm.s32 @p0 $0x1  }
0x13: {  	[smem:$0x3FB0] =	sst s0;
	s0 =	simm.s32 @!p1 $0x0  }
0x14: {  	s2 =	sld [smem:$0x3F94];
	s0 =	simm.s32 @p1 $0x1  }
0x15: {  	[smem:$0x3FB1] =	sst s0;
	s0 =	simm.s32 @!p2 $0x0  }
0x16: {  	s3 =	sld [smem:$0x3FDB];
	s0 =	simm.s32 @p2 $0x1  }
0x17: {  	s4 =	simm.s32 $0x1BF5;
	[smem:$0x3FB3] =	sst s0  }
0x18: {  	s0 =	sld [smem:$0x3F96];
	_ =	swait.ge [sflag:s4], $0x0  }
0x19: {  	s7 =	sld [smem:$0x3F97]  }
0x1a: {  	s8 =	sadd.s32 $0xFFFFE003, lr  }
0x1b: {  	s9 =	sadd.s32 $0xFFFFFEF7, lr;
	s5 =	simm.s32 $0xFFFFFFFF;
	p2 =	slt.u32 s8, $0xFFFFF086  }
0x1c: {  	p1 =	slt.u32 s9, $0xF7A;
	s5 =	simm.s32 @!p2 $0x0  }
0x1d: {  	s5 =	simm.s32 @p1 $0x1;
	p0 =	seq.s32 s7, s2  }
0x1e: {  	s7 =	smul.u32 @!p0 $0xF7A, s2;
	p2 =	seq.s32 @!p0 s5, $0x0  }
0x1f: {  	s9 =	smul.u32 $0xF7A, s1;
	s8 =	simm.s32 @!p0 $0x1BF5;
	p2 =	por !p2, p0  }
0x20: {  	[sflag:s8] =	ssyncset.s32 @!p0 $0xFFFFF086;
	s6 =	sadd.s32 @!p0 s3, s7;
	s7 =	simm.s32 @!p0 $0x108  }
0x21: {  	s3 =	sadd.s32 s3, s9;
	s6 =	sadd.s32 @!p0 $0x88, s6;
	s7 =	simm.s32 @p2 $0x1082  }
0x22: {  	[simem:s7], [sflag:s8] =	dma.local @!p0 [hbm:s6], $0xF7A  }
0x23: {  	s9 =	sor.u32 $0xD0000000, s2;
	s6 =	simm.s32 $0x108;
	_ =	swait.ge @!p0 [sflag:s8], $0x0  }
0x24: {  	s3 =	sadd.s32 $0x88, s3;
	s6 =	simm.s32 @!p1 $0x1082;
	[sflag:s4] =	ssyncset.s32 $0xFFFFF086  }
0x25: {  	[simem:s6], [sflag:s4] =	dma.local [hbm:s3], $0xF7A  }
0x26: {  	[smem:$0x3F97] =	sst s1;
	(tag) =	ssettag s2;
	_ =	strace s9  }
0x27: {  	s1 =	sld [smem:$0x3FA7]  }
0x28: {  	s2 =	sld [smem:$0x3FA8]  }
0x29: {  	s4 =	sld [smem:$0x3FAA]  }
0x2a: {  	p0 =	seq.s32 s5, $0x0;
	s5 =	sld [smem:$0x3FAB]  }
0x2b: {  	s6 =	sld [smem:$0x3FAC]  }
0x2c: {  	s7 =	sld [smem:$0x3FAD]  }
0x2d: {  	s3 =	simm.s32 $0x108;
	s8 =	sld [smem:$0x3FAE]  }
0x2e: {  	s3 =	simm.s32 @!p0 $0x1082;
	s9 =	sld [smem:$0x3FAF]  }
0x2f: {  	lr =	sadd.s32 s0, s3;
	s0 =	sld [smem:$0x3FA6]  }
0x30: {  	s3 =	sld [smem:$0x3FA9]  }
0x31: {  	[smem:$0x3FB2] =	sst s10  }
0x32: {  	s10 =	sld [smem:$0x3FB0];
	_ =	sdelay $0x3  }
0x33: {  	p0 =	seq.s32 s10, $0x1;
	s10 =	sld [smem:$0x3FB2];
	_ =	sdelay $0x3  }
0x34: {  	[smem:$0x3FB2] =	sst s10  }
0x35: {  	s10 =	sld [smem:$0x3FB1];
	_ =	sdelay $0x3  }
0x36: {  	p1 =	seq.s32 s10, $0x1;
	s10 =	sld [smem:$0x3FB2];
	_ =	sdelay $0x3  }
0x37: {  	[smem:$0x3FB2] =	sst s10  }
0x38: {  	s10 =	sld [smem:$0x3FB3]  }
0x39: {  	_ = 	snop;
	(pc) =	sbr.ind lr, $3  }
0x3a: {  	_ = 	snop  }
0x3b: {  	_ = 	snop  }
0x3c: {  	p2 =	seq.s32 s10, $0x1;
	s10 =	sld [smem:$0x3FB2]  }
0x3d: {  	_ =	shalt  }
0x3e: {  	_ =	shalt  }
0x3f: {  	_ =	shalt  }
0x40: {  	_ =	shalt  }
0x41: {  	_ =	shalt  }
0x42: {  	_ =	shalt  }
0x43: {  	_ =	shalt  }
0x44: {  	_ =	shalt  }
0x45: {  	_ =	shalt  }
0x46: {  	_ =	shalt  }
0x47: {  	_ =	shalt  }
0x48: {  	_ =	shalt  }
0x49: {  	_ =	shalt  }
0x4a: {  	_ =	shalt  }
0x4b: {  	_ =	shalt  }
0x4c: {  	_ =	shalt  }
0x4d: {  	_ =	shalt  }
0x4e: {  	_ =	shalt  }
0x4f: {  	_ =	shalt  }
0x50: {  	_ =	shalt  }
0x51: {  	_ =	shalt  }
0x52: {  	_ =	shalt  }
0x53: {  	_ =	shalt  }
0x54: {  	_ =	shalt  }
0x55: {  	_ =	shalt  }
0x56: {  	_ =	shalt  }
0x57: {  	_ =	shalt  }
0x58: {  	_ =	shalt  }
0x59: {  	_ =	shalt  }
0x5a: {  	_ =	shalt  }
0x5b: {  	_ =	shalt  }
0x5c: {  	_ =	shalt  }
0x5d: {  	_ =	shalt  }
0x5e: {  	_ =	shalt  }
0x5f: {  	_ =	shalt  }
0x60: {  	_ =	shalt  }
0x61: {  	_ =	shalt  }
0x62: {  	_ =	shalt  }
0x63: {  	_ =	shalt  }
0x64: {  	_ =	shalt  }
0x65: {  	_ =	shalt  }
0x66: {  	_ =	shalt  }
0x67: {  	_ =	shalt  }
0x68: {  	_ =	shalt  }
0x69: {  	_ =	shalt  }
0x6a: {  	_ =	shalt  }
0x6b: {  	_ =	shalt  }
0x6c: {  	_ =	shalt  }
0x6d: {  	_ =	shalt  }
0x6e: {  	_ =	shalt  }
0x6f: {  	_ =	shalt  }
0x70: {  	_ =	shalt  }
0x71: {  	_ =	shalt  }
0x72: {  	_ =	shalt  }
0x73: {  	_ =	shalt  }
0x74: {  	_ =	shalt  }
0x75: {  	_ =	shalt  }
0x76: {  	_ =	shalt  }
0x77: {  	_ =	shalt  }
0x78: {  	_ =	shalt  }
0x79: {  	_ =	shalt  }
0x7a: {  	_ =	shalt  }
0x7b: {  	_ =	shalt  }
0x7c: {  	_ =	shalt  }
0x7d: {  	_ =	shalt  }
0x7e: {  	_ =	shalt  }
0x7f: {  	_ =	shalt  }
0x80: {  	_ =	shalt  }
0x81: {  	_ =	shalt  }
0x82: {  	_ =	shalt  }
0x83: {  	_ =	shalt  }
0x84: {  	_ =	shalt  }
0x85: {  	_ =	shalt  }
0x86: {  	_ =	shalt  }
0x87: {  	_ =	shalt  }
.Lfunc_end0:
.L_simem_size_0:
called_computation_lowered:
.L_overlay_start_0:
0x88: {  	s2 =	sld [smem:$0x3FD9]  }
0x89: {  	s3 =	sld [smem:$0x3FFE];
	_ =	sdelay $0x1  }
0x8a: {  	s1 =	srdreg.scid  }
0x8b: {  	s0 =	sand.u32 $0x1, s1  }
0x8c: {  	s17 =	sshll.u32 s0, $0xA;
	s2 =	sadd.s32 s3, s2  }
0x8d: {  	s2 =	sadd.s32 s2, s17  }
0x8e: {  	[smem:$0x3FBE] =	sst s2  }
0x8f: {  	_ = 	snop  }
0x90: {  	s2 =	sld [smem:$0x3FD0];
	(tm) =	ssettm $0x1  }
0x91: {  	s18 =	sld [smem:$0x3FFB];
	_ =	sdelay $0x3  }
0x92: {  	_ =	strace s18  }
0x93: {  	s3 =	sld [smem:$0x3FFC];
	_ =	sdelay $0x3  }
0x94: {  	_ =	strace s3  }
0x95: {  	s3 =	sld [smem:$0x3FFD];
	_ =	sdelay $0x3  }
0x96: {  	_ =	strace s3  }
0x97: {  	_ =	strace $0x8FFFFFFF  }
0x98: {  	s19 =	sld [smem:$0x3FDB];
	_ =	sdelay $0x1  }
0x99: {  	s4 =	simm.s32 $_scs_section_size  }
0x9a: {  	s5 =	simm.s32 $_size__tile_overlayer_lowered;
	s6 =	simm.s32 $_tile_overlayer_lowered  }
0x9b: {  	s22 =	simm.s32 $0x1BFF;
	s21 =	sshll.u32 s6, $0x1;
	s3 =	sadd.s32 s4, s19  }
0x9c: {  	s7 =	simm.s32 $0x0;
	s20 =	sshll.u32 s5, $0x1;
	s5 =	sadd.s32 s21, s3  }
0x9d: {  	[timem:s7], [sflag:s22] =	dma.local [hbm:s5], s20  }
0x9e: {  	_ =	swait.ge [sflag:s22], s20  }
0x9f: {  	s4 =	ssub.s32 $0x0, s20;
	[sflag:s22] =	ssyncset.done $0x0  }
0xa0: {  	[sflag:s22] =	ssyncadd.s32 s4;
	_ =	sdelay $0x1  }
0xa1: {  	s23 =	simm.s32 $0x1B8B  }
0xa2: {  	_ =	swait.ge [sflag:s23], $0x1  }
0xa3: {  	[sflag:s23] =	ssyncset.done $0x0  }
0xa4: {  	s25 =	simm.s32 $0x1B8E;
	s24 =	sld [smem:$0x3FFE];
	[sflag:s23] =	ssyncadd.s32 $0xFFFFFFFF  }
0xa5: {  	s26 =	simm.s32 $execute0_lowered;
	[smem:$0x3FD2] =	sst s25  }
0xa6: {  	s5 =	sshll.u32 s26, $0x1;
	_ =	strace $0x80000046;
	[dreg:$0x1] =	wrdreg $0xFFFFFFFF  }
0xa7: {  	s28 =	simm.s32 $_size_execute0_lowered;
	s3 =	sadd.s32 s3, s5;
	[dreg:$0x0] =	wrdreg $0x0  }
0xa8: {  	s5 =	sshll.u32 s28, $0x1;
	[dreg:$0x2] =	wrdreg s3  }
0xa9: {  	[dreg:$0x3] =	wrdreg s5  }
0xaa: {  	[dreg:$0x4] =	wrdreg $0xC0  }
0xab: {  	_ =	task [dreg:s7], $0x5FFFF  }
0xac: {  	[dreg:$0x1] =	wrdreg $0xFFFFFFFF  }
0xad: {  	[dreg:$0x0] =	wrdreg $0x60  }
0xae: {  	[dreg:$0x2] =	wrdreg s24  }
0xaf: {  	[dreg:$0x3] =	wrdreg s2  }
0xb0: {  	[dreg:$0x4] =	wrdreg $0x93000  }
0xb1: {  	[dreg:$0x5] =	wrdreg $0x9  }
0xb2: {  	_ =	task.clear_ibuf [dreg:s7], $0x6FFFF;
	_ =	strace $0x90000046  }
0xb3: {  	s29 =	simm.s32 $0x9;
	_ =	strace $0x80000048  }
0xb4: {  	_ =	swait.ge [sflag:s29], $0x1  }
0xb5: {  	[sflag:s29] =	ssyncadd.s32 $0xFFFFFFFF  }
0xb6: {  	_ =	strace $0x90000048  }
0xb7: {  	_ =	sfence  }
0xb8: {  	s30 =	sld [smem:$0x0];
	_ =	sdelay $0x2  }
0xb9: {  	s31 =	sshll.u32 s1, $0xD;
	s1 =	sshrl.u32 s1, $0x2  }
0xba: {  	s3 =	sand.u32 $0x4000, s31;
	s1 =	sadd.s32 s1, s30  }
0xbb: {  	s0 =	sor.u32 s3, s0;
	s1 =	sshll.u32 s1, $0x11  }
0xbc: {  	s0 =	sor.u32 s1, s0  }
0xbd: {  	s0 =	sadd.s32 $0x8F2B, s0  }
0xbe: {  	[sflag:s0] =	ssyncadd.remote.s32 $0x1  }
0xbf: {  	_ =	sfence.sel $0xFFFF  }
0xc0: {  	[dreg:$0x0] =	wrdreg $0xFFFFFFFF;
	(pc) =	sbr.abs _section_cstart, $3  }
0xc1: {  	[dreg:$0x1] =	wrdreg $0xFFFFFFFF  }
0xc2: {  	_ =	task.clear_ibuf [dreg:s7], $0x2FFFF;
	_ =	strace $0x9FFFFFFF  }
0xc3: {  	(tm) =	ssettm $0x7FFFFFFF  }
tec
execute0_lowered:
.L_overlay_start_1:
0x0: {  	(tag) =	ssettag $0x1  }
0x1: {  	s9 =	rddreg [dreg:$0x0]  }
0x2: {  	s2 =	rddreg [dreg:$0x1]  }
0x3: {  	s3 =	rddreg [dreg:$0x2]  }
0x4: {  	s0 =	rddreg [dreg:$0x3]  }
0x5: {  	s5 =	srdreg.scid;
	s1 =	stileid.u32;
	s4 =	simm.s32 $0x0  }
0x6: {  	s15 =	simm.s32 $0xD80;
	s16 =	simm.s32 $0x60;
	s17 =	simm.s32 $0x1B00  }
0x7: {  	s18 =	simm.s32 $0x8700;
	s19 =	simm.s32 $0x5100;
	s20 =	simm.s32 $0x8D00  }
0x8: {  	s21 =	simm.s32 $0x1;
	s22 =	simm.s32 $0x2;
	s10 =	sand.u32 $0x1, s5  }
0x9: {  	s11 =	smul.u32 $0x16800, s1;
	[smem:$0x7FF] =	sst s4;
	s5 =	sadd.s32 $0x1800, s9  }
0xa: {  	s6 =	sadd.s32 $0x2E800, s9;
	s7 =	sadd.s32 $0x3DA00, s9;
	s8 =	smul.u32 $0x168000, s10  }
0xb: {  	s31 =	sshll.u32 s1, $0x6;
	_ =	strace $0x80000047;
	s13 =	ssub.s32 $0x2, s10  }
0xc: {  	s10 =	sshll.u32 s10, $0x4;
	s30 =	sshrl.u32 s13, $0x1;
	s12 =	sadd.s32 s11, s8  }
0xd: {  	s10 =	sor.u32 s1, s10;
	s14 =	sadd.s32 s11, s3;
	s12 =	sshrl.u32 s12, $0x3  }
0xe: {  	s8 =	sadd.s32 $0x33800, s9;
	s13 =	ssub.s32 s13, s30;
	s12 =	sadd.s32 s12, s9  }
0xf: {  	s10 =	smul.u32 $0x2880, s10;
	s9 =	sor.u32 $0x1C03, s31;
	s11 =	sadd.s32 $0x47C00, s12  }
0x10: {  	vm0 =	vmmov $0xff;
	s12 =	smax.u32 s13, $0x1;
	s13 =	sshrl.u32 s14, $0x3;
	s14 =	simm.s32 $0x3  }
.LBB2_1:
0x11: {  	[spmem:s13], [sflag:s9] =	dma.local [hbm:s2], $0x2D00  }
0x12: {  	_ =	swait.ge [sflag:s14], $0x2D00  }
0x13: {  	[sflag:s14] =	ssyncset.done $0x0  }
0x14: {  	[sflag:s14] =	ssyncadd.s32 $0xFFFFD300  }
0x15: {  	s23 =	simm.s32 $0x0;
	[bflag:$0x0] =	sbarrier.arrive $0xFFFF  }
.LBB2_2:
0x16: {  	s24 =	smul.u32 $0xD80, s23;
	_ =	sdelay $0x1  }
0x17: {  	s24 =	sadd.s32 s10, s24  }
0x18: {  	s25 =	sshrl.u32 s24, $0x3  }
0x19: {  	s24 =	simm.s32 $0x0;
	s26 =	sadd.s32 s7, s25  }
0x1a: {  	[tilespmem:s24], [sflag:$0x3] =	stream.linear.gather [hbm4b:s26+s24], $0xD80, $0x38;
	[tilespmem:$0x1FB00] =	vst v63  }
0x1b: {  	_ =	swait.ge [sflag:s14], $0xD80  }
0x1c: {  	[sflag:s14] =	ssyncset.done $0x0  }
0x1d: {  	s25 =	sadd.s32 s8, s25;
	[sflag:s14] =	ssyncadd.s32 $0xFFFFF280  }
0x1e: {  	[tilespmem:s15], [sflag:$0x3] =	stream.linear.gather [hbm4b:s25+s24], $0xD80, $0x38;
	[tilespmem:$0x1FB00] =	vst v63  }
0x1f: {  	_ =	swait.ge [sflag:s14], $0xD80  }
0x20: {  	[sflag:s14] =	ssyncset.done $0x0  }
0x21: {  	[sflag:s14] =	ssyncadd.s32 $0xFFFFF280  }
0x22: {  	[tilespmem:s17], [sflag:$0x1] =	stream.indirect.gather [hbm4b:s5+s16], $0x90, s24, s16, $0xb8;
	[tilespmem:$0x1FB00] =	vst v63  }
0x23: {  	_ = 	snop  }
0x24: {  	[tilespmem:s18], [sflag:$0x1] =	stream.indirect.gather [hbm4b:s6+s16], $0x10, s15, s16, $0xb8;
	[tilespmem:$0x1FB00] =	vst v63  }
.LBB2_3:
0x25: {  	s26 =	smul.u32 $0xC0, s24;
	_ =	sdelay $0x1  }
0x26: {  	s25 =	sadd.s32 $0x60, s26  }
0x27: {  	[tilespmem:s19], [sflag:$0x2] =	stream.indirect.gather [hbm4b:s5+s16], $0x90, s25, s16, $0xb8;
	[tilespmem:$0x1FB00] =	vst v63  }
0x28: {  	s25 =	sadd.s32 $0xDE0, s26  }
0x29: {  	[tilespmem:s20], [sflag:$0x2] =	stream.indirect.gather [hbm4b:s6+s16], $0x10, s25, s16, $0xb8;
	[tilespmem:$0x1FB00] =	vst v63  }
0x2a: {  	_ =	swait.ge [sflag:s21], $0x3600  }
0x2b: {  	[sflag:s21] =	ssyncset.done $0x0  }
0x2c: {  	[sflag:s21] =	ssyncadd.s32 $0xFFFFCA00  }
0x2d: {  	_ =	swait.ge [sflag:s21], $0x600  }
0x2e: {  	[sflag:s21] =	ssyncset.done $0x0  }
0x2f: {  	s28 =	simm.s32 $0x1B40;
	[sflag:s21] =	ssyncadd.s32 $0xFFFFFA00  }
0x30: {  	s31 =	simm.s32 $0x0;
	s30 =	simm.s32 $0x40;
	s29 =	simm.s32 $0x1B40;
	v0 =	vld [tilespmem:s28+$0x40]  }
.LBB2_4:
0x31: {  	p0 =	sne.s32 s30, $0x17C0;
	v1 =	vld [tilespmem:s31+$0x8700];
	_ =	sdelay $0x4  }
0x32: {  	v0 =	vadd.f32 v1, v0;
	_ =	sdelay $0x1  }
0x33: {  	v1 =	vmul.f32 $2.000000030e-01, v0  }
0x34: {  	vm1 =	vge.f32 v0, $0.0e+00  }
0x35: {  	v0 =	vsel vm1, v0, v1  }
0x36: {  	v0 =	vmul.f32 $1.442695020e+00, v0;
	_ =	sdelay $0x1  }
0x37: {  	(erf) = vpow2.f32 v0;
	_ =	sdelay $0x4  }
0x38: {  	v0 =	vld [tilespmem:s28+$0x30]  }
0x39: {  	v1 =	vld [tilespmem:s28+$0x20]  }
0x3a: {  	v2 =	vld [tilespmem:s28+$0x10]  }
0x3b: {  	v3 =	vld [tilespmem:s28+$0x0]  }
0x3c: {  	v4 =	vld [tilespmem:s28+$0xFFFFFFF0];
	v5 =	vpop (erf)  }
0x3d: {  	v6 =	vld [tilespmem:s28+$0xFFFFFFE0];
	v7 =	vbroadcast v5, $0x6;
	v8 =	vbroadcast v5, $0x7;
	v9 =	vnsel vm0, $0x0, v5  }
0x3e: {  	v11 =	vbroadcast v5, $0x4;
	v12 =	vbroadcast v5, $0x5;
	v10 =	vld [tilespmem:s28+$0xFFFFFFD0];
	[tilespmem:s28+$0x40] =	vst v9  }
0x3f: {  	v9 =	vld [tilespmem:s28+$0xFFFFFFC0];
	v1 =	vmul.f32 v1, v7;
	v0 =	vmul.f32 v0, v8  }
0x40: {  	v2 =	vmul.f32 v2, v12;
	v3 =	vmul.f32 v3, v11  }
0x41: {  	v7 =	vbroadcast v5, $0x2;
	v8 =	vbroadcast v5, $0x3;
	[tilespmem:s28+$0x30] =	vst v0  }
0x42: {  	v0 =	vbroadcast v5, $0x0;
	v5 =	vbroadcast v5, $0x1;
	[tilespmem:s28+$0x20] =	vst v1  }
0x43: {  	v4 =	vmul.f32 v4, v8;
	v1 =	vmul.f32 v7, v6;
	[tilespmem:s28+$0x10] =	vst v2  }
.Ltmp0:
0x44: {  	v2 =	vmul.f32 v0, v9;
	v0 =	vmul.f32 v5, v10;
	[tilespmem:s28+$0x0] =	vst v3;
	(pc) =	sbr.rel @p0 .LBB2_4-.Ltmp0, $4  }
0x45: {  	[tilespmem:s28+$0xFFFFFFF0] =	vst v4  }
0x46: {  	[tilespmem:s28+$0xFFFFFFE0] =	vst v1  }
0x47: {  	s28 =	sadd.s32 $0x90, s28;
	[tilespmem:s29+$0xFFFFFFD0] =	vst v0  }
0x48: {  	s31 =	sshra.s32 s30, $0x2;
	s30 =	sadd.s32 $0x40, s30;
	v0 =	vld [tilespmem:s28+$0x40];
	[tilespmem:s29+$0xFFFFFFC0] =	vst v2;
	s29 =	smov.u32 s28  }
0x49: {  	v1 =	vld [tilespmem:s31+$0x8700];
	_ =	sdelay $0x4  }
0x4a: {  	v0 =	vadd.f32 v1, v0;
	_ =	sdelay $0x1  }
0x4b: {  	v1 =	vmul.f32 $2.000000030e-01, v0  }
0x4c: {  	vm1 =	vge.f32 v0, $0.0e+00  }
0x4d: {  	v0 =	vsel vm1, v0, v1  }
0x4e: {  	v0 =	vmul.f32 $1.442695020e+00, v0;
	_ =	sdelay $0x1  }
0x4f: {  	(erf) = vpow2.f32 v0;
	_ =	sdelay $0x6  }
0x50: {  	v0 =	vld [tilespmem:s28+$0x30]  }
0x51: {  	v1 =	vld [tilespmem:s28+$0x20]  }
0x52: {  	v2 =	vld [tilespmem:s28+$0x10];
	v3 =	vpop (erf)  }
0x53: {  	v6 =	vld [tilespmem:s28+$0xFFFFFFF0];
	v5 =	vbroadcast v3, $0x7  }
0x54: {  	v4 =	vld [tilespmem:s28+$0x0];
	v7 =	vbroadcast v3, $0x6  }
0x55: {  	v8 =	vld [tilespmem:s28+$0xFFFFFFE0];
	v9 =	vnsel vm0, $0x0, v3;
	v10 =	vbroadcast v3, $0x5;
	v0 =	vmul.f32 v0, v5  }
0x56: {  	v60 =	vld [tilespmem:s28+$0xFFFFFFD0];
	v62 =	vbroadcast v3, $0x3;
	[tilespmem:s28+$0x40] =	vst v9;
	v1 =	vmul.f32 v1, v7  }
0x57: {  	v61 =	vld [tilespmem:s28+$0xFFFFFFC0];
	v11 =	vbroadcast v3, $0x4;
	v2 =	vmul.f32 v2, v10;
	[tilespmem:s28+$0x30] =	vst v0  }
0x58: {  	v63 =	vbroadcast v3, $0x2;
	v6 =	vmul.f32 v6, v62;
	[tilespmem:s28+$0x20] =	vst v1  }
0x59: {  	v0 =	vmul.f32 v4, v11;
	v1 =	vbroadcast v3, $0x1;
	[tilespmem:s28+$0x10] =	vst v2  }
0x5a: {  	v2 =	vbroadcast v3, $0x0;
	v3 =	vmul.f32 v63, v8;
	[tilespmem:s28+$0xFFFFFFF0] =	vst v6  }
0x5b: {  	s30 =	smul.u32 $0x300, s24;
	[tilespmem:s28+$0x0] =	vst v0;
	v0 =	vmul.f32 v1, v60  }
0x5c: {  	v1 =	vmul.f32 v2, v61;
	[tilespmem:s28+$0xFFFFFFE0] =	vst v3  }
0x5d: {  	s28 =	sshra.s32 s30, $0x2;
	[tilespmem:s29+$0xFFFFFFD0] =	vst v0  }
0x5e: {  	s28 =	sadd.s32 $0xD80, s28;
	[tilespmem:s29+$0xFFFFFFC0] =	vst v1  }
0x5f: {  	[spmem:s3] =	stream.indirect.scatter.add.f32 [tilespmem:s17], [sflag:$0x3], $0x90, s28, s16, $0xb8;
	[tilespmem:$0x1FB00] =	vst v63  }
0x60: {  	p0 =	seq.s32 s24, $0x11;
	_ =	swait.ge [sflag:s14], $0x3600  }
0x61: {  	s30 =	simm.s32 @!p0 $0x1B00;
	[sflag:s14] =	ssyncset.done $0x0  }
0x62: {  	s29 =	simm.s32 @!p0 $0x60;
	s28 =	sadd.s32 @!p0 $0xC0, s26;
	[sflag:s14] =	ssyncadd.s32 $0xFFFFCA00  }
0x63: {  	[tilespmem:s30], [sflag:$0x1] =	stream.indirect.gather @!p0 [hbm4b:s5+s29], $0x90, s28, s29, $0xb8;
	[tilespmem:$0x1FB00] =	vst v63  }
0x64: {  	s26 =	sadd.s32 @!p0 $0xE40, s26;
	s28 =	simm.s32 @!p0 $0x8700  }
0x65: {  	[tilespmem:s28], [sflag:$0x1] =	stream.indirect.gather @!p0 [hbm4b:s6+s29], $0x10, s26, s29, $0xb8;
	[tilespmem:$0x1FB00] =	vst v63  }
0x66: {  	_ =	swait.ge [sflag:s22], $0x3600  }
0x67: {  	[sflag:s22] =	ssyncset.done $0x0  }
0x68: {  	[sflag:s22] =	ssyncadd.s32 $0xFFFFCA00  }
0x69: {  	_ =	swait.ge [sflag:s22], $0x600  }
0x6a: {  	[sflag:s22] =	ssyncset.done $0x0  }
0x6b: {  	s26 =	simm.s32 $0x5140;
	[sflag:s22] =	ssyncadd.s32 $0xFFFFFA00  }
0x6c: {  	s30 =	simm.s32 $0x0;
	s29 =	simm.s32 $0x40;
	s28 =	simm.s32 $0x5140;
	v0 =	vld [tilespmem:s26+$0x40]  }
.LBB2_6:
0x6d: {  	p0 =	sne.s32 s29, $0x17C0;
	v1 =	vld [tilespmem:s30+$0x8D00];
	_ =	sdelay $0x4  }
0x6e: {  	v0 =	vadd.f32 v1, v0;
	_ =	sdelay $0x1  }
0x6f: {  	v1 =	vmul.f32 $2.000000030e-01, v0  }
0x70: {  	vm1 =	vge.f32 v0, $0.0e+00  }
0x71: {  	v0 =	vsel vm1, v0, v1  }
0x72: {  	v0 =	vmul.f32 $1.442695020e+00, v0;
	_ =	sdelay $0x1  }
0x73: {  	(erf) = vpow2.f32 v0;
	_ =	sdelay $0x4  }
0x74: {  	v0 =	vld [tilespmem:s26+$0x30]  }
0x75: {  	v1 =	vld [tilespmem:s26+$0x20]  }
0x76: {  	v2 =	vld [tilespmem:s26+$0x10]  }
0x77: {  	v3 =	vld [tilespmem:s26+$0x0]  }
0x78: {  	v4 =	vld [tilespmem:s26+$0xFFFFFFF0];
	v5 =	vpop (erf)  }
0x79: {  	v6 =	vld [tilespmem:s26+$0xFFFFFFE0];
	v7 =	vbroadcast v5, $0x6;
	v8 =	vbroadcast v5, $0x7;
	v9 =	vnsel vm0, $0x0, v5  }
0x7a: {  	v11 =	vbroadcast v5, $0x4;
	v12 =	vbroadcast v5, $0x5;
	v10 =	vld [tilespmem:s26+$0xFFFFFFD0];
	[tilespmem:s26+$0x40] =	vst v9  }
0x7b: {  	v9 =	vld [tilespmem:s26+$0xFFFFFFC0];
	v1 =	vmul.f32 v1, v7;
	v0 =	vmul.f32 v0, v8  }
0x7c: {  	v2 =	vmul.f32 v2, v12;
	v3 =	vmul.f32 v3, v11  }
0x7d: {  	v7 =	vbroadcast v5, $0x2;
	v8 =	vbroadcast v5, $0x3;
	[tilespmem:s26+$0x30] =	vst v0  }
0x7e: {  	v0 =	vbroadcast v5, $0x0;
	v5 =	vbroadcast v5, $0x1;
	[tilespmem:s26+$0x20] =	vst v1  }
0x7f: {  	v4 =	vmul.f32 v4, v8;
	v1 =	vmul.f32 v7, v6;
	[tilespmem:s26+$0x10] =	vst v2  }
.Ltmp1:
0x80: {  	v2 =	vmul.f32 v0, v9;
	v0 =	vmul.f32 v5, v10;
	[tilespmem:s26+$0x0] =	vst v3;
	(pc) =	sbr.rel @p0 .LBB2_6-.Ltmp1, $4  }
0x81: {  	[tilespmem:s26+$0xFFFFFFF0] =	vst v4  }
0x82: {  	[tilespmem:s26+$0xFFFFFFE0] =	vst v1  }
0x83: {  	s26 =	sadd.s32 $0x90, s26;
	[tilespmem:s28+$0xFFFFFFD0] =	vst v0  }
0x84: {  	s30 =	sshra.s32 s29, $0x2;
	s29 =	sadd.s32 $0x40, s29;
	v0 =	vld [tilespmem:s26+$0x40];
	[tilespmem:s28+$0xFFFFFFC0] =	vst v2;
	s28 =	smov.u32 s26  }
0x85: {  	v1 =	vld [tilespmem:s30+$0x8D00];
	_ =	sdelay $0x4  }
0x86: {  	v0 =	vadd.f32 v1, v0;
	_ =	sdelay $0x1  }
0x87: {  	v1 =	vmul.f32 $2.000000030e-01, v0  }
0x88: {  	vm1 =	vge.f32 v0, $0.0e+00  }
0x89: {  	v0 =	vsel vm1, v0, v1  }
0x8a: {  	v0 =	vmul.f32 $1.442695020e+00, v0;
	_ =	sdelay $0x1  }
0x8b: {  	(erf) = vpow2.f32 v0;
	_ =	sdelay $0x6  }
0x8c: {  	v52 =	vld [tilespmem:s26+$0x30]  }
0x8d: {  	v53 =	vld [tilespmem:s26+$0x20]  }
0x8e: {  	v2 =	vld [tilespmem:s26+$0x10];
	v3 =	vpop (erf)  }
0x8f: {  	v4 =	vld [tilespmem:s26+$0x0];
	v5 =	vbroadcast v3, $0x7  }
0x90: {  	v6 =	vld [tilespmem:s26+$0xFFFFFFF0];
	v7 =	vbroadcast v3, $0x6  }
0x91: {  	v8 =	vld [tilespmem:s26+$0xFFFFFFE0];
	v9 =	vnsel vm0, $0x0, v3;
	v10 =	vbroadcast v3, $0x5;
	v0 =	vmul.f32 v52, v5  }
0x92: {  	v54 =	vld [tilespmem:s26+$0xFFFFFFD0];
	v11 =	vbroadcast v3, $0x4;
	[tilespmem:s26+$0x40] =	vst v9;
	v1 =	vmul.f32 v53, v7  }
0x93: {  	v55 =	vld [tilespmem:s26+$0xFFFFFFC0];
	v56 =	vbroadcast v3, $0x3;
	v2 =	vmul.f32 v2, v10;
	[tilespmem:s26+$0x30] =	vst v0  }
0x94: {  	v58 =	vbroadcast v3, $0x2;
	v57 =	vmul.f32 v4, v11;
	[tilespmem:s26+$0x20] =	vst v1  }
0x95: {  	v59 =	vbroadcast v3, $0x1;
	v6 =	vmul.f32 v6, v56;
	[tilespmem:s26+$0x10] =	vst v2  }
0x96: {  	v60 =	vbroadcast v3, $0x0;
	v61 =	vmul.f32 v58, v8;
	[tilespmem:s26+$0x0] =	vst v57  }
0x97: {  	v62 =	vmul.f32 v59, v54;
	[tilespmem:s26+$0xFFFFFFF0] =	vst v6  }
0x98: {  	s24 =	sadd.s32 $0x1, s24;
	v63 =	vmul.f32 v60, v55;
	[tilespmem:s26+$0xFFFFFFE0] =	vst v61  }
0x99: {  	p0 =	sne.s32 s24, $0x12;
	[tilespmem:s28+$0xFFFFFFD0] =	vst v62  }
.Ltmp2:
0x9a: {  	[tilespmem:s28+$0xFFFFFFC0] =	vst v63;
	(pc) =	sbr.rel @p0 .LBB2_3-.Ltmp2, $4  }
0x9b: {  	[spmem:s3] =	stream.indirect.scatter.add.f32 [tilespmem:s19], [sflag:$0x3], $0x90, s25, s16, $0xb8;
	[tilespmem:$0x1FB00] =	vst v63  }
0x9c: {  	_ =	swait.ge [sflag:s14], $0x3600  }
0x9d: {  	[sflag:s14] =	ssyncset.done $0x0  }
0x9e: {  	[sflag:s14] =	ssyncadd.s32 $0xFFFFCA00  }
0x9f: {  	s23 =	sadd.s32 $0x1, s23  }
0xa0: {  	p0 =	sne.s32 s23, $0x3  }
.Ltmp3:
0xa1: {  	_ = 	snop;
	(pc) =	sbr.rel @p0 .LBB2_2-.Ltmp3, $1  }
0xa2: {  	_ =	sdelay $0x3  }
0xa3: {  	s4 =	sadd.s32 $0x1, s4  }
0xa4: {  	p0 =	sne.s32 s4, s12  }
.Ltmp4:
0xa5: {  	[bflag:$0x0] =	sbarrier.arrive $0xFFFF;
	(pc) =	sbr.rel @p0 .LBB2_1-.Ltmp4, $4  }
0xa6: {  	[hbm:s11], [sflag:s9] =	dma.local [spmem:s13], $0x2D00  }
0xa7: {  	_ =	swait.ge [sflag:s14], $0x2D00  }
0xa8: {  	[sflag:s14] =	ssyncset.done $0x0  }
0xa9: {  	[sflag:s14] =	ssyncadd.s32 $0xFFFFD300  }
0xaa: {  	_ =	sfence.sel $0x180000  }
0xab: {  	[bflag:$0x0] =	sbarrier.arrive $0xFFFF  }
0xac: {  	p0 =	sne.s32 s1, $0x0;
	_ =	strace $0x90000047  }
0xad: {  	s0 =	sadd.s32 @!p0 $0x100000, s0;
	[bflag:$0x2] =	sbarrier.arrive $0xFFFF  }
0xae: {  	[sflag:s0] =	ssyncadd.tile.s32 @!p0 $0x1;
	_ =	shalt  }
.Lfunc_end2:
_tile_overlayer_lowered:
.L_overlay_start_2:
0xaf: {  	(tag) =	ssettag $0x2  }
0xb0: {  	s0 =	rddreg [dreg:$0x0];
	s2 =	stileid.u32  }
0xb1: {  	s1 =	rddreg [dreg:$0x1];
	p0 =	sne.s32 s2, $0x0  }
0xb2: {  	s3 =	rddreg [dreg:$0x2];
	[bflag:$0x3] =	sbarrier.arrive $0xFFFF;
	s2 =	simm.s32 @!p0 $0x1C03  }
0xb3: {  	[timem:s3], [sflag:s2] =	dma.local @!p0 [hbm:s0], s1  }
0xb4: {  	s0 =	simm.s32 @!p0 $0x3  }
0xb5: {  	_ =	swait.ge @!p0 [sflag:s0], s1  }
0xb6: {  	s1 =	ssub.s32 @!p0 $0x0, s1;
	[sflag:s0] =	ssyncset.done @!p0 $0x0  }
0xb7: {  	[sflag:s0] =	ssyncadd.s32 @!p0 s1  }
0xb8: {  	[bflag:$0x3] =	sbarrier.arrive $0xFFFF  }
0xb9: {  	_ =	shalt  }

</sc_bundles>
